<compile_context>
chip_gen: v7x
topology: tpu7x:2x2x1
jax: 0.10.2.dev20260603
libtpu: 0.0.44.dev20260713+nightly
codegen_flags: <defaults>
</compile_context>

<pallas_src>
import functools
import jax
import jax.numpy as jnp
from jax import lax
from jax.experimental import pallas as pl
from jax.experimental.pallas import tpu as pltpu
from jax.experimental.pallas import tpu_sc as plsc

BINS_ = 32
C_ = 96
N_ = 224 * 224
NT_ = N_ // 128
CBLK = 8
WEIGHT_ = 1.0
NWORK = 32
CPW = C_ // NWORK


_GDN = lax.GatherDimensionNumbers(
    offset_dims=(), collapsed_slice_dims=(0,), start_index_map=(0,))


def _vperm(v, idx):
    return lax.gather(v, idx[:, None], _GDN, slice_sizes=(1,),
                      mode=lax.GatherScatterMode.PROMISE_IN_BOUNDS)


def _vtotal(v, lane):
    for k in (1, 2, 4, 8):
        v = v + _vperm(v, jnp.bitwise_xor(lane, k))
    return v


def _vcumsum(v, lane):
    for k in (1, 2, 4, 8):
        sh = _vperm(v, jnp.maximum(lane - k, 0))
        v = v + jnp.where(lane >= k, sh, 0.0)
    return v


def _sc_fine(style_hbm, inp_hbm, mask_hbm, fine_hbm,
             st_v, idx0, idx1, idx2, tidx0, tidx1, tidx2, rem_v,
             xr0, xr1, xr2, mr0, mr1, mr2, fine_v, sem):
    i32 = jnp.int32
    f32 = jnp.float32
    wid = lax.axis_index("s") * 2 + lax.axis_index("c")
    lane = lax.iota(i32, 16)
    idx_refs = (idx0, idx1, idx2)
    tidx_refs = (tidx0, tidx1, tidx2)
    xr_refs = (xr0, xr1, xr2)
    mr_refs = (mr0, mr1, mr2)

    copies = []
    for k in range(CPW):
        ch = wid * CPW + k
        pltpu.sync_copy(style_hbm.at[ch], st_v)
        lo = st_v[pl.ds(0, 16)]
        hi = st_v[pl.ds(16, 16)]
        rs = _vtotal(lo + hi, lane)
        sc = float(N_) / rs
        shlo = lo * sc
        shhi = hi * sc
        cslo = _vcumsum(shlo, lane)
        cshi = _vcumsum(shhi, lane) + _vtotal(shlo, lane)
        klo = jnp.clip(cslo.astype(i32), 0, N_)
        khi = jnp.clip(cshi.astype(i32), 0, N_)
        tlo = jnp.minimum(jnp.right_shift(klo, 7), NT_ - 1)
        thi = jnp.minimum(jnp.right_shift(khi, 7), NT_ - 1)
        idx_refs[k][pl.ds(0, 16)] = ch * NT_ + tlo
        idx_refs[k][pl.ds(16, 16)] = ch * NT_ + thi
        tidx_refs[k][pl.ds(0, 16)] = tlo
        tidx_refs[k][pl.ds(16, 16)] = thi
        rem_v[pl.ds(k * BINS_, 16)] = klo - tlo * 128
        rem_v[pl.ds(k * BINS_ + 16, 16)] = khi - thi * 128
        copies.append(pltpu.async_copy(inp_hbm.at[idx_refs[k]], xr_refs[k], sem))
        copies.append(pltpu.async_copy(mask_hbm.at[tidx_refs[k]], mr_refs[k], sem))
    for cp in copies:
        cp.wait()

    for k in range(CPW):
        ch = wid * CPW + k
        xrows = xr_refs[k]
        mrows = mr_refs[k]

        def body(b, carry):
            f0, f1 = carry
            rb = rem_v[pl.ds(k * BINS_ + b, 1)][0]

            def jbody(j, acc):
                xv = xrows[b, pl.ds(j * 16, 16)]
                mv = mrows[b, pl.ds(j * 16, 16)]
                pv = lane + j * 16
                return acc + jnp.where(pv >= rb, xv * mv, 0.0)

            acc = lax.fori_loop(0, 8, jbody, jnp.zeros((16,), f32))
            s = _vtotal(acc, lane)
            f0 = jnp.where(lane == b, s, f0)
            f1 = jnp.where(lane == b - 16, s, f1)
            return f0, f1

        z16 = jnp.zeros((16,), f32)
        f0, f1 = lax.fori_loop(0, BINS_, body, (z16, z16))
        fine_v[pl.ds(0, 16)] = f0
        fine_v[pl.ds(16, 16)] = f1
        pltpu.sync_copy(fine_v, fine_hbm.at[ch])


def _stream_kernel(inp_ref, mask_ref, style_ref, fine_ref, out_ref,
                   scr_ref, acc_ref):
    i = pl.program_id(0)
    nblk = pl.num_programs(0)
    f32 = jnp.float32

    st = style_ref[...]
    rs = jnp.sum(st, axis=1, keepdims=True)
    sh = st * (float(N_) / rs)
    r = lax.broadcasted_iota(jnp.int32, (BINS_, BINS_), 0)
    c = lax.broadcasted_iota(jnp.int32, (BINS_, BINS_), 1)
    tri_up = jnp.where(r <= c, 1.0, 0.0).astype(f32)
    cdf = jnp.dot(sh, tri_up, preferred_element_type=f32)
    Kf = jnp.clip(jnp.floor(cdf), 0.0, float(N_))
    Ki = Kf.astype(jnp.int32)
    t = jnp.minimum(Ki // 128, NT_ - 1)
    q_part = jnp.sum(float(N_) - Kf, axis=0, keepdims=True)

    x = inp_ref[...] * mask_ref[...]
    x2d = jnp.reshape(x, (CBLK * NT_, 128))
    ones_col = jnp.ones((128, 1), f32)
    tsall = jnp.dot(x2d, ones_col, preferred_element_type=f32)
    ssall = jnp.dot(x2d * x2d, ones_col, preferred_element_type=f32)
    ss_part = jnp.sum(ssall)
    stot_part = jnp.sum(tsall)

    i392 = lax.broadcasted_iota(jnp.int32, (NT_, 1), 0)
    t_row_acc = jnp.zeros((1, BINS_), f32)
    for cl in range(CBLK):
        tsc = tsall[cl * NT_:(cl + 1) * NT_]
        t_row = t[cl:cl + 1, :]
        cmpgt = jnp.where(i392 > t_row, 1.0, 0.0).astype(f32)
        coarse = lax.dot_general(tsc, cmpgt, (((0,), (0,)), ((), ())),
                                 preferred_element_type=f32)
        t_row_acc = t_row_acc + coarse

    @pl.when(i == 0)
    def _():
        scr_ref[0:1, :] = t_row_acc
        scr_ref[1:2, :] = q_part
        scr_ref[2:3, :] = cdf[0:1, :]
        acc_ref[0] = ss_part
        acc_ref[1] = jnp.sum(mask_ref[...])
        acc_ref[2] = jnp.min(x[0])
        acc_ref[3] = jnp.max(x[0])
        acc_ref[4] = stot_part
        acc_ref[5] = jnp.sum(cdf[1:2, 0:1])

    @pl.when(i > 0)
    def _():
        scr_ref[0:1, :] = scr_ref[0:1, :] + t_row_acc
        scr_ref[1:2, :] = scr_ref[1:2, :] + q_part
        acc_ref[0] = acc_ref[0] + ss_part
        acc_ref[4] = acc_ref[4] + stot_part

    @pl.when(i == nblk - 1)
    def _():
        mn0 = acc_ref[2]
        mx0 = acc_ref[3]
        step0 = (mx0 - mn0) / BINS_
        t_row2 = scr_ref[0:1, :] + jnp.sum(fine_ref[...], axis=0, keepdims=True)
        cdf0_row = scr_ref[2:3, :]
        cdf1_0 = jnp.reshape(acc_ref[5], (1, 1))
        m1 = lax.broadcasted_iota(jnp.int32, (64, 1), 0).astype(f32) + 1.0
        idx0 = jnp.sum(jnp.where(cdf0_row < m1, 1.0, 0.0),
                       axis=1, keepdims=True)
        jrow = lax.broadcasted_iota(jnp.int32, (1, 64), 1).astype(f32)
        eq = jnp.where(idx0 == jrow, 1.0, 0.0)
        z1 = jnp.zeros((1, 1), f32)
        cdfp_ext = jnp.concatenate(
            [z1, cdf0_row[:, 0:31], jnp.zeros((1, 32), f32)], axis=1)
        cdf_ext = jnp.concatenate(
            [cdf0_row, cdf1_0, jnp.zeros((1, 31), f32)], axis=1)
        cdfp_sel = jnp.sum(eq * cdfp_ext, axis=1, keepdims=True)
        cdf_sel = jnp.sum(eq * cdf_ext, axis=1, keepdims=True)
        ratio = jnp.clip((m1 - cdfp_sel) / (1e-8 + cdf_sel), 0.0, 1.0)
        lut = mn0 + (ratio + idx0) * step0

        dlut = lut[1:33] - lut[0:32]
        lutsq = lut * lut
        dlut2 = lutsq[1:33] - lutsq[0:32]
        lut0 = lut[0:1, 0:1]

        cross = jnp.dot(t_row2, dlut, preferred_element_type=f32)
        lut2t = jnp.dot(scr_ref[1:2, :], dlut2,
                        preferred_element_type=f32)
        total = float(C_) * float(N_)
        loss_sum = (acc_ref[0] - 2.0 * (lut0 * acc_ref[4] + cross)
                    + (total * lut0 * lut0 + lut2t))
        scale = (float(C_) / (total * total)) * WEIGHT_
        out_ref[...] = (loss_sum * scale) * acc_ref[1]


def kernel(input, mask_tight, mask_rough, style_his):
    inp3 = input.reshape(C_, NT_, 128)
    inp2d = input.reshape(C_ * NT_, 128)
    mask3 = mask_tight.reshape(1, NT_, 128)
    mask2d = mask_tight.reshape(NT_, 128)

    sc_call = functools.partial(
        pl.kernel,
        mesh=plsc.VectorSubcoreMesh(core_axis_name="c", subcore_axis_name="s"),
        out_type=jax.ShapeDtypeStruct((C_, BINS_), jnp.float32),
        scratch_types=[
            pltpu.VMEM((BINS_,), jnp.float32),
            pltpu.VMEM((BINS_,), jnp.int32),
            pltpu.VMEM((BINS_,), jnp.int32),
            pltpu.VMEM((BINS_,), jnp.int32),
            pltpu.VMEM((BINS_,), jnp.int32),
            pltpu.VMEM((BINS_,), jnp.int32),
            pltpu.VMEM((BINS_,), jnp.int32),
            pltpu.VMEM((CPW * BINS_,), jnp.int32),
            pltpu.VMEM((BINS_, 128), jnp.float32),
            pltpu.VMEM((BINS_, 128), jnp.float32),
            pltpu.VMEM((BINS_, 128), jnp.float32),
            pltpu.VMEM((BINS_, 128), jnp.float32),
            pltpu.VMEM((BINS_, 128), jnp.float32),
            pltpu.VMEM((BINS_, 128), jnp.float32),
            pltpu.VMEM((BINS_,), jnp.float32),
            pltpu.SemaphoreType.DMA,
        ],
    )(_sc_fine)
    fine = sc_call(style_his, inp2d, mask2d)

    out = pl.pallas_call(
        _stream_kernel,
        grid=(C_ // CBLK,),
        in_specs=[
            pl.BlockSpec((CBLK, NT_, 128), lambda i: (i, 0, 0)),
            pl.BlockSpec((1, NT_, 128), lambda i: (0, 0, 0)),
            pl.BlockSpec((CBLK, BINS_), lambda i: (i, 0)),
            pl.BlockSpec((C_, BINS_), lambda i: (0, 0)),
        ],
        out_specs=pl.BlockSpec((1, 1), lambda i: (0, 0)),
        out_shape=jax.ShapeDtypeStruct((1, 1), jnp.float32),
        scratch_shapes=[
            pltpu.VMEM((8, BINS_), jnp.float32),
            pltpu.SMEM((8,), jnp.float32),
        ],
    )(inp3, mask3, style_his, fine)

    return out[0, 0]

# --- scband reference (transcript-rebuilt; emitter-appended) ---
"""Pipeline reference for scband-histogram-loss-27092653703852 (READ-ONLY COPY).

The authoritative reference and input builder live on the scoring server;
editing this copy changes nothing except your own understanding.
"""

import jax, jax.numpy as jnp
import numpy as np

BINS = 32
WEIGHT = 1.0
C = 96
H = 224
W = 224


def setup_inputs(seed: int = 0) -> dict:
    key = jax.random.key(seed)
    k1, k2, k3, k4 = jax.random.split(key, 4)
    inp = jax.random.normal(k1, (1, C, H, W), dtype=jnp.float32)
    mask_tight = jax.random.uniform(k2, (1, 1, H, W), dtype=jnp.float32)
    mask_rough = jax.random.uniform(k3, (1, 1, H, W), dtype=jnp.float32)
    style_his = jax.random.uniform(k4, (C, BINS), dtype=jnp.float32)
    return {"input": inp, "mask_tight": mask_tight, "mask_rough": mask_rough, "style_his": style_his}


def _select_idx(hist, idx):
    # Faithful to torch: hist.view(-1)[idx.view(-1)].view(hist.shape[0], -1)
    # (idx values are NOT channel-offset in the original code; reproduced as-is)
    return hist.reshape(-1)[idx.reshape(-1)].reshape((hist.shape[0], -1))


def _remap_histogram(inp, mask_tight, style_his, bins):
    x = (inp * mask_tight).reshape((inp.shape[1], -1))
    Cc, N = x.shape
    sort_fm = jnp.sort(x, axis=1)            # computed in original (unused downstream)
    sort_idx = jnp.argsort(x, axis=1)
    channel_min = jnp.min(x, axis=1)[:, None]
    channel_max = jnp.max(x, axis=1)[:, None]
    step = (channel_max - channel_min) / bins
    rng = jnp.arange(1, N + 1, dtype=jnp.float32)[None, :]          # [1, N]
    sh = style_his * N / jnp.sum(style_his, axis=1)[:, None]        # [C, bins]
    style_cdf = jnp.cumsum(sh, axis=1)                              # [C, bins]
    style_cdf_prev = jnp.concatenate([jnp.zeros((Cc, 1), dtype=style_cdf.dtype), style_cdf[:, :-1]], axis=1)
    # (cdf - rng < 0) == (cdf < rng); bool comparison avoids materializing a float [C,N,bins]
    idx = jnp.sum(style_cdf[:, None, :] < rng[:, :, None], axis=2).astype(jnp.int32)  # [C, N]
    ratio = (rng - _select_idx(style_cdf_prev, idx)) / (1e-08 + _select_idx(style_cdf, idx))
    ratio = jnp.clip(jnp.squeeze(ratio), 0.0, 1.0)
    input_corr = channel_min + (ratio + idx.astype(jnp.float32)) * step
    input_corr = input_corr.at[:, -1].set(channel_max[:, 0])
    remap = jnp.argsort(sort_idx, axis=1)    # computed in original (unused downstream)
    input_corr = _select_idx(input_corr, idx)
    return input_corr


def reference(input, mask_tight, mask_rough, style_his):
    # count % 50 == 0 branch (count starts at 0): recompute corr_input
    corr_input = _remap_histogram(input, mask_tight, style_his, BINS)
    target = (input * mask_tight).reshape((input.shape[1], -1))
    loss = jnp.mean((corr_input - target) ** 2)
    loss = loss * jnp.sum(mask_tight) * input.shape[1] / input.size * WEIGHT
    # torch forward returns `input` unchanged and stashes loss in self.loss;
    # we return the loss since it is the meaningful computed output.
    return loss

if __name__ == "__main__":
    import jax
    _d = setup_inputs()
    print(jax.jit(kernel)(*tuple(_d.values())))

</pallas_src>

<mosaic_0001>
#map = affine_map<(d0, d1) -> (0, 0)>
module attributes {stable_mosaic.version = 14 : i64} {
  func.func @_sc_fine(%arg0: i32, %arg1: i32, %arg2: memref<96x32xf32, #tpu.memory_space<hbm>>, %arg3: memref<37632x128xf32, #tpu.memory_space<hbm>>, %arg4: memref<392x128xf32, #tpu.memory_space<hbm>>, %arg5: memref<96x32xf32, #tpu.memory_space<hbm>>, %arg6: memref<32xf32, #tpu.memory_space<vmem>>, %arg7: memref<32xi32, #tpu.memory_space<vmem>>, %arg8: memref<32xi32, #tpu.memory_space<vmem>>, %arg9: memref<32xi32, #tpu.memory_space<vmem>>, %arg10: memref<32xi32, #tpu.memory_space<vmem>>, %arg11: memref<32xi32, #tpu.memory_space<vmem>>, %arg12: memref<32xi32, #tpu.memory_space<vmem>>, %arg13: memref<96xi32, #tpu.memory_space<vmem>>, %arg14: memref<32x128xf32, #tpu.memory_space<vmem>>, %arg15: memref<32x128xf32, #tpu.memory_space<vmem>>, %arg16: memref<32x128xf32, #tpu.memory_space<vmem>>, %arg17: memref<32x128xf32, #tpu.memory_space<vmem>>, %arg18: memref<32x128xf32, #tpu.memory_space<vmem>>, %arg19: memref<32x128xf32, #tpu.memory_space<vmem>>, %arg20: memref<32xf32, #tpu.memory_space<vmem>>, %arg21: memref<!tpu.dma_semaphore, #tpu.memory_space<semaphore_mem>>) attributes {dimension_semantics = [#tpu.dimension_semantics<core_parallel>, #tpu.dimension_semantics<subcore_parallel>], iteration_bounds = array<i64: 2, 16>, scalar_prefetch = 0 : i64, scratch_operands = 16 : i64, tpu.core_type = #tpu.core_type<sc_vector_subcore>, window_params = [{transform_indices = #map}, {transform_indices = #map}, {transform_indices = #map}, {transform_indices = #map}]} {
    %mul3A = arith.constant 2 : i32
    %mul3A_0 = arith.muli %arg1, %mul3A : i32
    %add3A = arith.addi %mul3A_0, %arg0 : i32
    %iota3A = tpu.iota {dimensions = array<i32: 0>} : vector<16xi32>
    %mul3A_1 = arith.constant 3 : i32
    %mul3A_2 = arith.muli %add3A, %mul3A_1 : i32
    %add3A_3 = arith.constant 0 : i32
    %add3A_4 = arith.addi %mul3A_2, %add3A_3 : i32
    "tpu.region"() ({
      %run_scoped3A = tpu.sem_alloc : memref<!tpu.dma_semaphore, #tpu.memory_space<semaphore_mem>>
      %dma_start3A_881 = arith.constant 0 : i32
      %dma_start3A_882 = tpu.memref_slice %arg2[%add3A_4, %dma_start3A_881] : memref<96x32xf32, #tpu.memory_space<hbm>> -> memref<1x32xf32, #tpu.memory_space<hbm>>
      %dma_start3A_883 = tpu.memref_squeeze %dma_start3A_882 : memref<1x32xf32, #tpu.memory_space<hbm>> -> memref<32xf32, #tpu.memory_space<hbm>>
      %dma_start3A_884 = arith.constant 0 : i32
      %dma_start3A_885 = tpu.memref_slice %arg2[%add3A_4, %dma_start3A_884] : memref<96x32xf32, #tpu.memory_space<hbm>> -> memref<1x32xf32, #tpu.memory_space<hbm>>
      %dma_start3A_886 = tpu.memref_squeeze %dma_start3A_885 : memref<1x32xf32, #tpu.memory_space<hbm>> -> memref<32xf32, #tpu.memory_space<hbm>>
      tpu.enqueue_dma source(%dma_start3A_886 : memref<32xf32, #tpu.memory_space<hbm>>) target(%arg6 : memref<32xf32, #tpu.memory_space<vmem>>) target_semaphore(%run_scoped3A : memref<!tpu.dma_semaphore, #tpu.memory_space<semaphore_mem>>)
      %dma_wait3A_887 = arith.constant 0 : i32
      %dma_wait3A_888 = tpu.memref_slice %arg2[%add3A_4, %dma_wait3A_887] : memref<96x32xf32, #tpu.memory_space<hbm>> -> memref<1x32xf32, #tpu.memory_space<hbm>>
      %dma_wait3A_889 = tpu.memref_squeeze %dma_wait3A_888 : memref<1x32xf32, #tpu.memory_space<hbm>> -> memref<32xf32, #tpu.memory_space<hbm>>
      %dma_wait3A_890 = arith.constant 0 : i32
      %dma_wait3A_891 = tpu.memref_slice %arg2[%add3A_4, %dma_wait3A_890] : memref<96x32xf32, #tpu.memory_space<hbm>> -> memref<1x32xf32, #tpu.memory_space<hbm>>
      %dma_wait3A_892 = tpu.memref_squeeze %dma_wait3A_891 : memref<1x32xf32, #tpu.memory_space<hbm>> -> memref<32xf32, #tpu.memory_space<hbm>>
      tpu.wait_dma2 semaphore(%run_scoped3A : memref<!tpu.dma_semaphore, #tpu.memory_space<semaphore_mem>>) src(%dma_wait3A_892 : memref<32xf32, #tpu.memory_space<hbm>>) dst(%arg6 : memref<32xf32, #tpu.memory_space<vmem>>)
      tpu.yield
    }) : () -> ()
    %get3A = arith.constant 0 : index
    %get3A_5 = tpu.vector_load %arg6[%get3A] {strides = array<i32>} : memref<32xf32, #tpu.memory_space<vmem>>, vector<16xf32>,
    %get3A_6 = vector.shape_cast %get3A_5 : vector<16xf32> to vector<16xf32>
    %get3A_7 = arith.constant 16 : index
    %get3A_8 = tpu.vector_load %arg6[%get3A_7] {strides = array<i32>} : memref<32xf32, #tpu.memory_space<vmem>>, vector<16xf32>,
    %get3A_9 = vector.shape_cast %get3A_8 : vector<16xf32> to vector<16xf32>
    %add3A_10 = arith.addf %get3A_6, %get3A_9 : vector<16xf32>
    %xor3A = arith.constant 1 : i32
    %xor3A_11 = vector.broadcast %xor3A : i32 to vector<16xi32>
    %xor3A_12 = arith.xori %iota3A, %xor3A_11 : vector<16xi32>
    %broadcast_in_dim3A = vector.shape_cast %xor3A_12 : vector<16xi32> to vector<16x1xi32>
    %gather3A = vector.shape_cast %broadcast_in_dim3A : vector<16x1xi32> to vector<16xi32>
    %gather3A_13 = tpu.dynamic_gather %add3A_10[%gather3A] in [0] : vector<16xf32>, vector<16xi32> -> vector<16xf32>
    %add3A_14 = arith.addf %add3A_10, %gather3A_13 : vector<16xf32>
    %xor3A_15 = arith.constant 2 : i32
    %xor3A_16 = vector.broadcast %xor3A_15 : i32 to vector<16xi32>
    %xor3A_17 = arith.xori %iota3A, %xor3A_16 : vector<16xi32>
    %broadcast_in_dim3A_18 = vector.shape_cast %xor3A_17 : vector<16xi32> to vector<16x1xi32>
    %gather3A_19 = vector.shape_cast %broadcast_in_dim3A_18 : vector<16x1xi32> to vector<16xi32>
    %gather3A_20 = tpu.dynamic_gather %add3A_14[%gather3A_19] in [0] : vector<16xf32>, vector<16xi32> -> vector<16xf32>
    %add3A_21 = arith.addf %add3A_14, %gather3A_20 : vector<16xf32>
    %xor3A_22 = arith.constant 4 : i32
    %xor3A_23 = vector.broadcast %xor3A_22 : i32 to vector<16xi32>
    %xor3A_24 = arith.xori %iota3A, %xor3A_23 : vector<16xi32>
    %broadcast_in_dim3A_25 = vector.shape_cast %xor3A_24 : vector<16xi32> to vector<16x1xi32>
    %gather3A_26 = vector.shape_cast %broadcast_in_dim3A_25 : vector<16x1xi32> to vector<16xi32>
    %gather3A_27 = tpu.dynamic_gather %add3A_21[%gather3A_26] in [0] : vector<16xf32>, vector<16xi32> -> vector<16xf32>
    %add3A_28 = arith.addf %add3A_21, %gather3A_27 : vector<16xf32>
    %xor3A_29 = arith.constant 8 : i32
    %xor3A_30 = vector.broadcast %xor3A_29 : i32 to vector<16xi32>
    %xor3A_31 = arith.xori %iota3A, %xor3A_30 : vector<16xi32>
    %broadcast_in_dim3A_32 = vector.shape_cast %xor3A_31 : vector<16xi32> to vector<16x1xi32>
    %gather3A_33 = vector.shape_cast %broadcast_in_dim3A_32 : vector<16x1xi32> to vector<16xi32>
    %gather3A_34 = tpu.dynamic_gather %add3A_28[%gather3A_33] in [0] : vector<16xf32>, vector<16xi32> -> vector<16xf32>
    %add3A_35 = arith.addf %add3A_28, %gather3A_34 : vector<16xf32>
    %div3A = arith.constant 5.017600e+04 : f32
    %div3A_36 = vector.broadcast %div3A : f32 to vector<16xf32>
    %div3A_37 = arith.divf %div3A_36, %add3A_35 : vector<16xf32>
    %mul3A_38 = arith.mulf %get3A_6, %div3A_37 : vector<16xf32>
    %mul3A_39 = arith.mulf %get3A_9, %div3A_37 : vector<16xf32>
    %sub3A = arith.constant 1 : i32
    %sub3A_40 = vector.broadcast %sub3A : i32 to vector<16xi32>
    %sub3A_41 = arith.subi %iota3A, %sub3A_40 : vector<16xi32>
    %max3A = arith.constant 0 : i32
    %max3A_42 = vector.broadcast %max3A : i32 to vector<16xi32>
    %max3A_43 = arith.maxsi %sub3A_41, %max3A_42 : vector<16xi32>
    %broadcast_in_dim3A_44 = vector.shape_cast %max3A_43 : vector<16xi32> to vector<16x1xi32>
    %gather3A_45 = vector.shape_cast %broadcast_in_dim3A_44 : vector<16x1xi32> to vector<16xi32>
    %gather3A_46 = tpu.dynamic_gather %mul3A_38[%gather3A_45] in [0] : vector<16xf32>, vector<16xi32> -> vector<16xf32>
    %ge3A = arith.constant 1 : i32
    %ge3A_47 = vector.broadcast %ge3A : i32 to vector<16xi32>
    %ge3A_48 = arith.cmpi sge, %iota3A, %ge3A_47 : vector<16xi32>
    %jit3A = arith.constant 0.000000e+00 : f32
    %broadcast_in_dim3A_49 = vector.broadcast %jit3A : f32 to vector<16xf32>
    %select_n3A = arith.select %ge3A_48, %gather3A_46, %broadcast_in_dim3A_49 : vector<16xi1>, vector<16xf32>
    %add3A_50 = arith.addf %mul3A_38, %select_n3A : vector<16xf32>
    %sub3A_51 = arith.constant 2 : i32
    %sub3A_52 = vector.broadcast %sub3A_51 : i32 to vector<16xi32>
    %sub3A_53 = arith.subi %iota3A, %sub3A_52 : vector<16xi32>
    %max3A_54 = arith.constant 0 : i32
    %max3A_55 = vector.broadcast %max3A_54 : i32 to vector<16xi32>
    %max3A_56 = arith.maxsi %sub3A_53, %max3A_55 : vector<16xi32>
    %broadcast_in_dim3A_57 = vector.shape_cast %max3A_56 : vector<16xi32> to vector<16x1xi32>
    %gather3A_58 = vector.shape_cast %broadcast_in_dim3A_57 : vector<16x1xi32> to vector<16xi32>
    %gather3A_59 = tpu.dynamic_gather %add3A_50[%gather3A_58] in [0] : vector<16xf32>, vector<16xi32> -> vector<16xf32>
    %ge3A_60 = arith.constant 2 : i32
    %ge3A_61 = vector.broadcast %ge3A_60 : i32 to vector<16xi32>
    %ge3A_62 = arith.cmpi sge, %iota3A, %ge3A_61 : vector<16xi32>
    %jit3A_63 = arith.constant 0.000000e+00 : f32
    %broadcast_in_dim3A_64 = vector.broadcast %jit3A_63 : f32 to vector<16xf32>
    %select_n3A_65 = arith.select %ge3A_62, %gather3A_59, %broadcast_in_dim3A_64 : vector<16xi1>, vector<16xf32>
    %add3A_66 = arith.addf %add3A_50, %select_n3A_65 : vector<16xf32>
    %sub3A_67 = arith.constant 4 : i32
    %sub3A_68 = vector.broadcast %sub3A_67 : i32 to vector<16xi32>
    %sub3A_69 = arith.subi %iota3A, %sub3A_68 : vector<16xi32>
    %max3A_70 = arith.constant 0 : i32
    %max3A_71 = vector.broadcast %max3A_70 : i32 to vector<16xi32>
    %max3A_72 = arith.maxsi %sub3A_69, %max3A_71 : vector<16xi32>
    %broadcast_in_dim3A_73 = vector.shape_cast %max3A_72 : vector<16xi32> to vector<16x1xi32>
    %gather3A_74 = vector.shape_cast %broadcast_in_dim3A_73 : vector<16x1xi32> to vector<16xi32>
    %gather3A_75 = tpu.dynamic_gather %add3A_66[%gather3A_74] in [0] : vector<16xf32>, vector<16xi32> -> vector<16xf32>
    %ge3A_76 = arith.constant 4 : i32
    %ge3A_77 = vector.broadcast %ge3A_76 : i32 to vector<16xi32>
    %ge3A_78 = arith.cmpi sge, %iota3A, %ge3A_77 : vector<16xi32>
    %jit3A_79 = arith.constant 0.000000e+00 : f32
    %broadcast_in_dim3A_80 = vector.broadcast %jit3A_79 : f32 to vector<16xf32>
    %select_n3A_81 = arith.select %ge3A_78, %gather3A_75, %broadcast_in_dim3A_80 : vector<16xi1>, vector<16xf32>
    %add3A_82 = arith.addf %add3A_66, %select_n3A_81 : vector<16xf32>
    %sub3A_83 = arith.constant 8 : i32
    %sub3A_84 = vector.broadcast %sub3A_83 : i32 to vector<16xi32>
    %sub3A_85 = arith.subi %iota3A, %sub3A_84 : vector<16xi32>
    %max3A_86 = arith.constant 0 : i32
    %max3A_87 = vector.broadcast %max3A_86 : i32 to vector<16xi32>
    %max3A_88 = arith.maxsi %sub3A_85, %max3A_87 : vector<16xi32>
    %broadcast_in_dim3A_89 = vector.shape_cast %max3A_88 : vector<16xi32> to vector<16x1xi32>
    %gather3A_90 = vector.shape_cast %broadcast_in_dim3A_89 : vector<16x1xi32> to vector<16xi32>
    %gather3A_91 = tpu.dynamic_gather %add3A_82[%gather3A_90] in [0] : vector<16xf32>, vector<16xi32> -> vector<16xf32>
    %ge3A_92 = arith.constant 8 : i32
    %ge3A_93 = vector.broadcast %ge3A_92 : i32 to vector<16xi32>
    %ge3A_94 = arith.cmpi sge, %iota3A, %ge3A_93 : vector<16xi32>
    %jit3A_95 = arith.constant 0.000000e+00 : f32
    %broadcast_in_dim3A_96 = vector.broadcast %jit3A_95 : f32 to vector<16xf32>
    %select_n3A_97 = arith.select %ge3A_94, %gather3A_91, %broadcast_in_dim3A_96 : vector<16xi1>, vector<16xf32>
    %add3A_98 = arith.addf %add3A_82, %select_n3A_97 : vector<16xf32>
    %sub3A_99 = arith.constant 1 : i32
    %sub3A_100 = vector.broadcast %sub3A_99 : i32 to vector<16xi32>
    %sub3A_101 = arith.subi %iota3A, %sub3A_100 : vector<16xi32>
    %max3A_102 = arith.constant 0 : i32
    %max3A_103 = vector.broadcast %max3A_102 : i32 to vector<16xi32>
    %max3A_104 = arith.maxsi %sub3A_101, %max3A_103 : vector<16xi32>
    %broadcast_in_dim3A_105 = vector.shape_cast %max3A_104 : vector<16xi32> to vector<16x1xi32>
    %gather3A_106 = vector.shape_cast %broadcast_in_dim3A_105 : vector<16x1xi32> to vector<16xi32>
    %gather3A_107 = tpu.dynamic_gather %mul3A_39[%gather3A_106] in [0] : vector<16xf32>, vector<16xi32> -> vector<16xf32>
    %ge3A_108 = arith.constant 1 : i32
    %ge3A_109 = vector.broadcast %ge3A_108 : i32 to vector<16xi32>
    %ge3A_110 = arith.cmpi sge, %iota3A, %ge3A_109 : vector<16xi32>
    %jit3A_111 = arith.constant 0.000000e+00 : f32
    %broadcast_in_dim3A_112 = vector.broadcast %jit3A_111 : f32 to vector<16xf32>
    %select_n3A_113 = arith.select %ge3A_110, %gather3A_107, %broadcast_in_dim3A_112 : vector<16xi1>, vector<16xf32>
    %add3A_114 = arith.addf %mul3A_39, %select_n3A_113 : vector<16xf32>
    %sub3A_115 = arith.constant 2 : i32
    %sub3A_116 = vector.broadcast %sub3A_115 : i32 to vector<16xi32>
    %sub3A_117 = arith.subi %iota3A, %sub3A_116 : vector<16xi32>
    %max3A_118 = arith.constant 0 : i32
    %max3A_119 = vector.broadcast %max3A_118 : i32 to vector<16xi32>
    %max3A_120 = arith.maxsi %sub3A_117, %max3A_119 : vector<16xi32>
    %broadcast_in_dim3A_121 = vector.shape_cast %max3A_120 : vector<16xi32> to vector<16x1xi32>
    %gather3A_122 = vector.shape_cast %broadcast_in_dim3A_121 : vector<16x1xi32> to vector<16xi32>
    %gather3A_123 = tpu.dynamic_gather %add3A_114[%gather3A_122] in [0] : vector<16xf32>, vector<16xi32> -> vector<16xf32>
    %ge3A_124 = arith.constant 2 : i32
    %ge3A_125 = vector.broadcast %ge3A_124 : i32 to vector<16xi32>
    %ge3A_126 = arith.cmpi sge, %iota3A, %ge3A_125 : vector<16xi32>
    %jit3A_127 = arith.constant 0.000000e+00 : f32
    %broadcast_in_dim3A_128 = vector.broadcast %jit3A_127 : f32 to vector<16xf32>
    %select_n3A_129 = arith.select %ge3A_126, %gather3A_123, %broadcast_in_dim3A_128 : vector<16xi1>, vector<16xf32>
    %add3A_130 = arith.addf %add3A_114, %select_n3A_129 : vector<16xf32>
    %sub3A_131 = arith.constant 4 : i32
    %sub3A_132 = vector.broadcast %sub3A_131 : i32 to vector<16xi32>
    %sub3A_133 = arith.subi %iota3A, %sub3A_132 : vector<16xi32>
    %max3A_134 = arith.constant 0 : i32
    %max3A_135 = vector.broadcast %max3A_134 : i32 to vector<16xi32>
    %max3A_136 = arith.maxsi %sub3A_133, %max3A_135 : vector<16xi32>
    %broadcast_in_dim3A_137 = vector.shape_cast %max3A_136 : vector<16xi32> to vector<16x1xi32>
    %gather3A_138 = vector.shape_cast %broadcast_in_dim3A_137 : vector<16x1xi32> to vector<16xi32>
    %gather3A_139 = tpu.dynamic_gather %add3A_130[%gather3A_138] in [0] : vector<16xf32>, vector<16xi32> -> vector<16xf32>
    %ge3A_140 = arith.constant 4 : i32
    %ge3A_141 = vector.broadcast %ge3A_140 : i32 to vector<16xi32>
    %ge3A_142 = arith.cmpi sge, %iota3A, %ge3A_141 : vector<16xi32>
    %jit3A_143 = arith.constant 0.000000e+00 : f32
    %broadcast_in_dim3A_144 = vector.broadcast %jit3A_143 : f32 to vector<16xf32>
    %select_n3A_145 = arith.select %ge3A_142, %gather3A_139, %broadcast_in_dim3A_144 : vector<16xi1>, vector<16xf32>
    %add3A_146 = arith.addf %add3A_130, %select_n3A_145 : vector<16xf32>
    %sub3A_147 = arith.constant 8 : i32
    %sub3A_148 = vector.broadcast %sub3A_147 : i32 to vector<16xi32>
    %sub3A_149 = arith.subi %iota3A, %sub3A_148 : vector<16xi32>
    %max3A_150 = arith.constant 0 : i32
    %max3A_151 = vector.broadcast %max3A_150 : i32 to vector<16xi32>
    %max3A_152 = arith.maxsi %sub3A_149, %max3A_151 : vector<16xi32>
    %broadcast_in_dim3A_153 = vector.shape_cast %max3A_152 : vector<16xi32> to vector<16x1xi32>
    %gather3A_154 = vector.shape_cast %broadcast_in_dim3A_153 : vector<16x1xi32> to vector<16xi32>
    %gather3A_155 = tpu.dynamic_gather %add3A_146[%gather3A_154] in [0] : vector<16xf32>, vector<16xi32> -> vector<16xf32>
    %ge3A_156 = arith.constant 8 : i32
    %ge3A_157 = vector.broadcast %ge3A_156 : i32 to vector<16xi32>
    %ge3A_158 = arith.cmpi sge, %iota3A, %ge3A_157 : vector<16xi32>
    %jit3A_159 = arith.constant 0.000000e+00 : f32
    %broadcast_in_dim3A_160 = vector.broadcast %jit3A_159 : f32 to vector<16xf32>
    %select_n3A_161 = arith.select %ge3A_158, %gather3A_155, %broadcast_in_dim3A_160 : vector<16xi1>, vector<16xf32>
    %add3A_162 = arith.addf %add3A_146, %select_n3A_161 : vector<16xf32>
    %xor3A_163 = arith.constant 1 : i32
    %xor3A_164 = vector.broadcast %xor3A_163 : i32 to vector<16xi32>
    %xor3A_165 = arith.xori %iota3A, %xor3A_164 : vector<16xi32>
    %broadcast_in_dim3A_166 = vector.shape_cast %xor3A_165 : vector<16xi32> to vector<16x1xi32>
    %gather3A_167 = vector.shape_cast %broadcast_in_dim3A_166 : vector<16x1xi32> to vector<16xi32>
    %gather3A_168 = tpu.dynamic_gather %mul3A_38[%gather3A_167] in [0] : vector<16xf32>, vector<16xi32> -> vector<16xf32>
    %add3A_169 = arith.addf %mul3A_38, %gather3A_168 : vector<16xf32>
    %xor3A_170 = arith.constant 2 : i32
    %xor3A_171 = vector.broadcast %xor3A_170 : i32 to vector<16xi32>
    %xor3A_172 = arith.xori %iota3A, %xor3A_171 : vector<16xi32>
    %broadcast_in_dim3A_173 = vector.shape_cast %xor3A_172 : vector<16xi32> to vector<16x1xi32>
    %gather3A_174 = vector.shape_cast %broadcast_in_dim3A_173 : vector<16x1xi32> to vector<16xi32>
    %gather3A_175 = tpu.dynamic_gather %add3A_169[%gather3A_174] in [0] : vector<16xf32>, vector<16xi32> -> vector<16xf32>
    %add3A_176 = arith.addf %add3A_169, %gather3A_175 : vector<16xf32>
    %xor3A_177 = arith.constant 4 : i32
    %xor3A_178 = vector.broadcast %xor3A_177 : i32 to vector<16xi32>
    %xor3A_179 = arith.xori %iota3A, %xor3A_178 : vector<16xi32>
    %broadcast_in_dim3A_180 = vector.shape_cast %xor3A_179 : vector<16xi32> to vector<16x1xi32>
    %gather3A_181 = vector.shape_cast %broadcast_in_dim3A_180 : vector<16x1xi32> to vector<16xi32>
    %gather3A_182 = tpu.dynamic_gather %add3A_176[%gather3A_181] in [0] : vector<16xf32>, vector<16xi32> -> vector<16xf32>
    %add3A_183 = arith.addf %add3A_176, %gather3A_182 : vector<16xf32>
    %xor3A_184 = arith.constant 8 : i32
    %xor3A_185 = vector.broadcast %xor3A_184 : i32 to vector<16xi32>
    %xor3A_186 = arith.xori %iota3A, %xor3A_185 : vector<16xi32>
    %broadcast_in_dim3A_187 = vector.shape_cast %xor3A_186 : vector<16xi32> to vector<16x1xi32>
    %gather3A_188 = vector.shape_cast %broadcast_in_dim3A_187 : vector<16x1xi32> to vector<16xi32>
    %gather3A_189 = tpu.dynamic_gather %add3A_183[%gather3A_188] in [0] : vector<16xf32>, vector<16xi32> -> vector<16xf32>
    %add3A_190 = arith.addf %add3A_183, %gather3A_189 : vector<16xf32>
    %add3A_191 = arith.addf %add3A_162, %add3A_190 : vector<16xf32>
    %convert_element_type3A = arith.fptosi %add3A_98 : vector<16xf32> to vector<16xi32>
    %jit3A_192 = arith.constant 0 : i32
    %jit3A_193 = arith.constant 50176 : i32
    %max3A_194 = vector.broadcast %jit3A_192 : i32 to vector<16xi32>
    %max3A_195 = arith.maxsi %max3A_194, %convert_element_type3A : vector<16xi32>
    %min3A = vector.broadcast %jit3A_193 : i32 to vector<16xi32>
    %min3A_196 = arith.minsi %min3A, %max3A_195 : vector<16xi32>
    %convert_element_type3A_197 = arith.fptosi %add3A_191 : vector<16xf32> to vector<16xi32>
    %jit3A_198 = arith.constant 0 : i32
    %jit3A_199 = arith.constant 50176 : i32
    %max3A_200 = vector.broadcast %jit3A_198 : i32 to vector<16xi32>
    %max3A_201 = arith.maxsi %max3A_200, %convert_element_type3A_197 : vector<16xi32>
    %min3A_202 = vector.broadcast %jit3A_199 : i32 to vector<16xi32>
    %min3A_203 = arith.minsi %min3A_202, %max3A_201 : vector<16xi32>
    %shift_right_arithmetic3A = arith.constant 7 : i32
    %shift_right_arithmetic3A_204 = vector.broadcast %shift_right_arithmetic3A : i32 to vector<16xi32>
    %shift_right_arithmetic3A_205 = arith.shrsi %min3A_196, %shift_right_arithmetic3A_204 : vector<16xi32>
    %min3A_206 = arith.constant 391 : i32
    %min3A_207 = vector.broadcast %min3A_206 : i32 to vector<16xi32>
    %min3A_208 = arith.minsi %shift_right_arithmetic3A_205, %min3A_207 : vector<16xi32>
    %shift_right_arithmetic3A_209 = arith.constant 7 : i32
    %shift_right_arithmetic3A_210 = vector.broadcast %shift_right_arithmetic3A_209 : i32 to vector<16xi32>
    %shift_right_arithmetic3A_211 = arith.shrsi %min3A_203, %shift_right_arithmetic3A_210 : vector<16xi32>
    %min3A_212 = arith.constant 391 : i32
    %min3A_213 = vector.broadcast %min3A_212 : i32 to vector<16xi32>
    %min3A_214 = arith.minsi %shift_right_arithmetic3A_211, %min3A_213 : vector<16xi32>
    %mul3A_215 = arith.constant 392 : i32
    %mul3A_216 = arith.muli %add3A_4, %mul3A_215 : i32
    %add3A_217 = vector.broadcast %mul3A_216 : i32 to vector<16xi32>
    %add3A_218 = arith.addi %add3A_217, %min3A_208 : vector<16xi32>
    %swap3A = arith.constant 0 : index
    %swap3A_219 = tpu.vector_load %arg7[%swap3A] {strides = array<i32>} : memref<32xi32, #tpu.memory_space<vmem>>, vector<16xi32>,
    %swap3A_220 = vector.shape_cast %swap3A_219 : vector<16xi32> to vector<16xi32>
    %swap3A_221 = vector.shape_cast %add3A_218 : vector<16xi32> to vector<16xi32>
    tpu.vector_store %arg7[%swap3A], %swap3A_221 {strides = array<i32>} : memref<32xi32, #tpu.memory_space<vmem>>, vector<16xi32>,
    %mul3A_222 = arith.constant 392 : i32
    %mul3A_223 = arith.muli %add3A_4, %mul3A_222 : i32
    %add3A_224 = vector.broadcast %mul3A_223 : i32 to vector<16xi32>
    %add3A_225 = arith.addi %add3A_224, %min3A_214 : vector<16xi32>
    %swap3A_226 = arith.constant 16 : index
    %swap3A_227 = tpu.vector_load %arg7[%swap3A_226] {strides = array<i32>} : memref<32xi32, #tpu.memory_space<vmem>>, vector<16xi32>,
    %swap3A_228 = vector.shape_cast %swap3A_227 : vector<16xi32> to vector<16xi32>
    %swap3A_229 = vector.shape_cast %add3A_225 : vector<16xi32> to vector<16xi32>
    tpu.vector_store %arg7[%swap3A_226], %swap3A_229 {strides = array<i32>} : memref<32xi32, #tpu.memory_space<vmem>>, vector<16xi32>,
    %swap3A_230 = arith.constant 0 : index
    %swap3A_231 = tpu.vector_load %arg10[%swap3A_230] {strides = array<i32>} : memref<32xi32, #tpu.memory_space<vmem>>, vector<16xi32>,
    %swap3A_232 = vector.shape_cast %swap3A_231 : vector<16xi32> to vector<16xi32>
    %swap3A_233 = vector.shape_cast %min3A_208 : vector<16xi32> to vector<16xi32>
    tpu.vector_store %arg10[%swap3A_230], %swap3A_233 {strides = array<i32>} : memref<32xi32, #tpu.memory_space<vmem>>, vector<16xi32>,
    %swap3A_234 = arith.constant 16 : index
    %swap3A_235 = tpu.vector_load %arg10[%swap3A_234] {strides = array<i32>} : memref<32xi32, #tpu.memory_space<vmem>>, vector<16xi32>,
    %swap3A_236 = vector.shape_cast %swap3A_235 : vector<16xi32> to vector<16xi32>
    %swap3A_237 = vector.shape_cast %min3A_214 : vector<16xi32> to vector<16xi32>
    tpu.vector_store %arg10[%swap3A_234], %swap3A_237 {strides = array<i32>} : memref<32xi32, #tpu.memory_space<vmem>>, vector<16xi32>,
    %mul3A_238 = arith.constant 128 : i32
    %mul3A_239 = vector.broadcast %mul3A_238 : i32 to vector<16xi32>
    %mul3A_240 = arith.muli %min3A_208, %mul3A_239 : vector<16xi32>
    %sub3A_241 = arith.subi %min3A_196, %mul3A_240 : vector<16xi32>
    %swap3A_242 = arith.constant 0 : index
    %swap3A_243 = tpu.vector_load %arg13[%swap3A_242] {strides = array<i32>} : memref<96xi32, #tpu.memory_space<vmem>>, vector<16xi32>,
    %swap3A_244 = vector.shape_cast %swap3A_243 : vector<16xi32> to vector<16xi32>
    %swap3A_245 = vector.shape_cast %sub3A_241 : vector<16xi32> to vector<16xi32>
    tpu.vector_store %arg13[%swap3A_242], %swap3A_245 {strides = array<i32>} : memref<96xi32, #tpu.memory_space<vmem>>, vector<16xi32>,
    %mul3A_246 = arith.constant 128 : i32
    %mul3A_247 = vector.broadcast %mul3A_246 : i32 to vector<16xi32>
    %mul3A_248 = arith.muli %min3A_214, %mul3A_247 : vector<16xi32>
    %sub3A_249 = arith.subi %min3A_203, %mul3A_248 : vector<16xi32>
    %swap3A_250 = arith.constant 16 : index
    %swap3A_251 = tpu.vector_load %arg13[%swap3A_250] {strides = array<i32>} : memref<96xi32, #tpu.memory_space<vmem>>, vector<16xi32>,
    %swap3A_252 = vector.shape_cast %swap3A_251 : vector<16xi32> to vector<16xi32>
    %swap3A_253 = vector.shape_cast %sub3A_249 : vector<16xi32> to vector<16xi32>
    tpu.vector_store %arg13[%swap3A_250], %swap3A_253 {strides = array<i32>} : memref<96xi32, #tpu.memory_space<vmem>>, vector<16xi32>,
    %dma_start3A = arith.constant 0 : i32
    %dma_start3A_254 = arith.constant 0 : i32
    %dma_start3A_255 = tpu.memref_slice %arg3[%dma_start3A, %dma_start3A_254] : memref<37632x128xf32, #tpu.memory_space<hbm>> -> memref<37632x128xf32, #tpu.memory_space<hbm>>
    tpu.enqueue_indirect_dma source(%dma_start3A_255 : memref<37632x128xf32, #tpu.memory_space<hbm>>) target(%arg14 : memref<32x128xf32, #tpu.memory_space<vmem>>) offsets(%arg7 : memref<32xi32, #tpu.memory_space<vmem>>) semaphore(%arg21 : memref<!tpu.dma_semaphore, #tpu.memory_space<semaphore_mem>>)
    %dma_start3A_256 = arith.constant 0 : i32
    %dma_start3A_257 = arith.constant 0 : i32
    %dma_start3A_258 = tpu.memref_slice %arg4[%dma_start3A_256, %dma_start3A_257] : memref<392x128xf32, #tpu.memory_space<hbm>> -> memref<392x128xf32, #tpu.memory_space<hbm>>
    tpu.enqueue_indirect_dma source(%dma_start3A_258 : memref<392x128xf32, #tpu.memory_space<hbm>>) target(%arg17 : memref<32x128xf32, #tpu.memory_space<vmem>>) offsets(%arg10 : memref<32xi32, #tpu.memory_space<vmem>>) semaphore(%arg21 : memref<!tpu.dma_semaphore, #tpu.memory_space<semaphore_mem>>)
    %mul3A_259 = arith.constant 3 : i32
    %mul3A_260 = arith.muli %add3A, %mul3A_259 : i32
    %add3A_261 = arith.constant 1 : i32
    %add3A_262 = arith.addi %mul3A_260, %add3A_261 : i32
    "tpu.region"() ({
      %run_scoped3A = tpu.sem_alloc : memref<!tpu.dma_semaphore, #tpu.memory_space<semaphore_mem>>
      %dma_start3A_881 = arith.constant 0 : i32
      %dma_start3A_882 = tpu.memref_slice %arg2[%add3A_262, %dma_start3A_881] : memref<96x32xf32, #tpu.memory_space<hbm>> -> memref<1x32xf32, #tpu.memory_space<hbm>>
      %dma_start3A_883 = tpu.memref_squeeze %dma_start3A_882 : memref<1x32xf32, #tpu.memory_space<hbm>> -> memref<32xf32, #tpu.memory_space<hbm>>
      %dma_start3A_884 = arith.constant 0 : i32
      %dma_start3A_885 = tpu.memref_slice %arg2[%add3A_262, %dma_start3A_884] : memref<96x32xf32, #tpu.memory_space<hbm>> -> memref<1x32xf32, #tpu.memory_space<hbm>>
      %dma_start3A_886 = tpu.memref_squeeze %dma_start3A_885 : memref<1x32xf32, #tpu.memory_space<hbm>> -> memref<32xf32, #tpu.memory_space<hbm>>
      tpu.enqueue_dma source(%dma_start3A_886 : memref<32xf32, #tpu.memory_space<hbm>>) target(%arg6 : memref<32xf32, #tpu.memory_space<vmem>>) target_semaphore(%run_scoped3A : memref<!tpu.dma_semaphore, #tpu.memory_space<semaphore_mem>>)
      %dma_wait3A_887 = arith.constant 0 : i32
      %dma_wait3A_888 = tpu.memref_slice %arg2[%add3A_262, %dma_wait3A_887] : memref<96x32xf32, #tpu.memory_space<hbm>> -> memref<1x32xf32, #tpu.memory_space<hbm>>
      %dma_wait3A_889 = tpu.memref_squeeze %dma_wait3A_888 : memref<1x32xf32, #tpu.memory_space<hbm>> -> memref<32xf32, #tpu.memory_space<hbm>>
      %dma_wait3A_890 = arith.constant 0 : i32
      %dma_wait3A_891 = tpu.memref_slice %arg2[%add3A_262, %dma_wait3A_890] : memref<96x32xf32, #tpu.memory_space<hbm>> -> memref<1x32xf32, #tpu.memory_space<hbm>>
      %dma_wait3A_892 = tpu.memref_squeeze %dma_wait3A_891 : memref<1x32xf32, #tpu.memory_space<hbm>> -> memref<32xf32, #tpu.memory_space<hbm>>
      tpu.wait_dma2 semaphore(%run_scoped3A : memref<!tpu.dma_semaphore, #tpu.memory_space<semaphore_mem>>) src(%dma_wait3A_892 : memref<32xf32, #tpu.memory_space<hbm>>) dst(%arg6 : memref<32xf32, #tpu.memory_space<vmem>>)
      tpu.yield
    }) : () -> ()
    %get3A_263 = arith.constant 0 : index
    %get3A_264 = tpu.vector_load %arg6[%get3A_263] {strides = array<i32>} : memref<32xf32, #tpu.memory_space<vmem>>, vector<16xf32>,
    %get3A_265 = vector.shape_cast %get3A_264 : vector<16xf32> to vector<16xf32>
    %get3A_266 = arith.constant 16 : index
    %get3A_267 = tpu.vector_load %arg6[%get3A_266] {strides = array<i32>} : memref<32xf32, #tpu.memory_space<vmem>>, vector<16xf32>,
    %get3A_268 = vector.shape_cast %get3A_267 : vector<16xf32> to vector<16xf32>
    %add3A_269 = arith.addf %get3A_265, %get3A_268 : vector<16xf32>
    %xor3A_270 = arith.constant 1 : i32
    %xor3A_271 = vector.broadcast %xor3A_270 : i32 to vector<16xi32>
    %xor3A_272 = arith.xori %iota3A, %xor3A_271 : vector<16xi32>
    %broadcast_in_dim3A_273 = vector.shape_cast %xor3A_272 : vector<16xi32> to vector<16x1xi32>
    %gather3A_274 = vector.shape_cast %broadcast_in_dim3A_273 : vector<16x1xi32> to vector<16xi32>
    %gather3A_275 = tpu.dynamic_gather %add3A_269[%gather3A_274] in [0] : vector<16xf32>, vector<16xi32> -> vector<16xf32>
    %add3A_276 = arith.addf %add3A_269, %gather3A_275 : vector<16xf32>
    %xor3A_277 = arith.constant 2 : i32
    %xor3A_278 = vector.broadcast %xor3A_277 : i32 to vector<16xi32>
    %xor3A_279 = arith.xori %iota3A, %xor3A_278 : vector<16xi32>
    %broadcast_in_dim3A_280 = vector.shape_cast %xor3A_279 : vector<16xi32> to vector<16x1xi32>
    %gather3A_281 = vector.shape_cast %broadcast_in_dim3A_280 : vector<16x1xi32> to vector<16xi32>
    %gather3A_282 = tpu.dynamic_gather %add3A_276[%gather3A_281] in [0] : vector<16xf32>, vector<16xi32> -> vector<16xf32>
    %add3A_283 = arith.addf %add3A_276, %gather3A_282 : vector<16xf32>
    %xor3A_284 = arith.constant 4 : i32
    %xor3A_285 = vector.broadcast %xor3A_284 : i32 to vector<16xi32>
    %xor3A_286 = arith.xori %iota3A, %xor3A_285 : vector<16xi32>
    %broadcast_in_dim3A_287 = vector.shape_cast %xor3A_286 : vector<16xi32> to vector<16x1xi32>
    %gather3A_288 = vector.shape_cast %broadcast_in_dim3A_287 : vector<16x1xi32> to vector<16xi32>
    %gather3A_289 = tpu.dynamic_gather %add3A_283[%gather3A_288] in [0] : vector<16xf32>, vector<16xi32> -> vector<16xf32>
    %add3A_290 = arith.addf %add3A_283, %gather3A_289 : vector<16xf32>
    %xor3A_291 = arith.constant 8 : i32
    %xor3A_292 = vector.broadcast %xor3A_291 : i32 to vector<16xi32>
    %xor3A_293 = arith.xori %iota3A, %xor3A_292 : vector<16xi32>
    %broadcast_in_dim3A_294 = vector.shape_cast %xor3A_293 : vector<16xi32> to vector<16x1xi32>
    %gather3A_295 = vector.shape_cast %broadcast_in_dim3A_294 : vector<16x1xi32> to vector<16xi32>
    %gather3A_296 = tpu.dynamic_gather %add3A_290[%gather3A_295] in [0] : vector<16xf32>, vector<16xi32> -> vector<16xf32>
    %add3A_297 = arith.addf %add3A_290, %gather3A_296 : vector<16xf32>
    %div3A_298 = arith.constant 5.017600e+04 : f32
    %div3A_299 = vector.broadcast %div3A_298 : f32 to vector<16xf32>
    %div3A_300 = arith.divf %div3A_299, %add3A_297 : vector<16xf32>
    %mul3A_301 = arith.mulf %get3A_265, %div3A_300 : vector<16xf32>
    %mul3A_302 = arith.mulf %get3A_268, %div3A_300 : vector<16xf32>
    %sub3A_303 = arith.constant 1 : i32
    %sub3A_304 = vector.broadcast %sub3A_303 : i32 to vector<16xi32>
    %sub3A_305 = arith.subi %iota3A, %sub3A_304 : vector<16xi32>
    %max3A_306 = arith.constant 0 : i32
    %max3A_307 = vector.broadcast %max3A_306 : i32 to vector<16xi32>
    %max3A_308 = arith.maxsi %sub3A_305, %max3A_307 : vector<16xi32>
    %broadcast_in_dim3A_309 = vector.shape_cast %max3A_308 : vector<16xi32> to vector<16x1xi32>
    %gather3A_310 = vector.shape_cast %broadcast_in_dim3A_309 : vector<16x1xi32> to vector<16xi32>
    %gather3A_311 = tpu.dynamic_gather %mul3A_301[%gather3A_310] in [0] : vector<16xf32>, vector<16xi32> -> vector<16xf32>
    %ge3A_312 = arith.constant 1 : i32
    %ge3A_313 = vector.broadcast %ge3A_312 : i32 to vector<16xi32>
    %ge3A_314 = arith.cmpi sge, %iota3A, %ge3A_313 : vector<16xi32>
    %jit3A_315 = arith.constant 0.000000e+00 : f32
    %broadcast_in_dim3A_316 = vector.broadcast %jit3A_315 : f32 to vector<16xf32>
    %select_n3A_317 = arith.select %ge3A_314, %gather3A_311, %broadcast_in_dim3A_316 : vector<16xi1>, vector<16xf32>
    %add3A_318 = arith.addf %mul3A_301, %select_n3A_317 : vector<16xf32>
    %sub3A_319 = arith.constant 2 : i32
    %sub3A_320 = vector.broadcast %sub3A_319 : i32 to vector<16xi32>
    %sub3A_321 = arith.subi %iota3A, %sub3A_320 : vector<16xi32>
    %max3A_322 = arith.constant 0 : i32
    %max3A_323 = vector.broadcast %max3A_322 : i32 to vector<16xi32>
    %max3A_324 = arith.maxsi %sub3A_321, %max3A_323 : vector<16xi32>
    %broadcast_in_dim3A_325 = vector.shape_cast %max3A_324 : vector<16xi32> to vector<16x1xi32>
    %gather3A_326 = vector.shape_cast %broadcast_in_dim3A_325 : vector<16x1xi32> to vector<16xi32>
    %gather3A_327 = tpu.dynamic_gather %add3A_318[%gather3A_326] in [0] : vector<16xf32>, vector<16xi32> -> vector<16xf32>
    %ge3A_328 = arith.constant 2 : i32
    %ge3A_329 = vector.broadcast %ge3A_328 : i32 to vector<16xi32>
    %ge3A_330 = arith.cmpi sge, %iota3A, %ge3A_329 : vector<16xi32>
    %jit3A_331 = arith.constant 0.000000e+00 : f32
    %broadcast_in_dim3A_332 = vector.broadcast %jit3A_331 : f32 to vector<16xf32>
    %select_n3A_333 = arith.select %ge3A_330, %gather3A_327, %broadcast_in_dim3A_332 : vector<16xi1>, vector<16xf32>
    %add3A_334 = arith.addf %add3A_318, %select_n3A_333 : vector<16xf32>
    %sub3A_335 = arith.constant 4 : i32
    %sub3A_336 = vector.broadcast %sub3A_335 : i32 to vector<16xi32>
    %sub3A_337 = arith.subi %iota3A, %sub3A_336 : vector<16xi32>
    %max3A_338 = arith.constant 0 : i32
    %max3A_339 = vector.broadcast %max3A_338 : i32 to vector<16xi32>
    %max3A_340 = arith.maxsi %sub3A_337, %max3A_339 : vector<16xi32>
    %broadcast_in_dim3A_341 = vector.shape_cast %max3A_340 : vector<16xi32> to vector<16x1xi32>
    %gather3A_342 = vector.shape_cast %broadcast_in_dim3A_341 : vector<16x1xi32> to vector<16xi32>
    %gather3A_343 = tpu.dynamic_gather %add3A_334[%gather3A_342] in [0] : vector<16xf32>, vector<16xi32> -> vector<16xf32>
    %ge3A_344 = arith.constant 4 : i32
    %ge3A_345 = vector.broadcast %ge3A_344 : i32 to vector<16xi32>
    %ge3A_346 = arith.cmpi sge, %iota3A, %ge3A_345 : vector<16xi32>
    %jit3A_347 = arith.constant 0.000000e+00 : f32
    %broadcast_in_dim3A_348 = vector.broadcast %jit3A_347 : f32 to vector<16xf32>
    %select_n3A_349 = arith.select %ge3A_346, %gather3A_343, %broadcast_in_dim3A_348 : vector<16xi1>, vector<16xf32>
    %add3A_350 = arith.addf %add3A_334, %select_n3A_349 : vector<16xf32>
    %sub3A_351 = arith.constant 8 : i32
    %sub3A_352 = vector.broadcast %sub3A_351 : i32 to vector<16xi32>
    %sub3A_353 = arith.subi %iota3A, %sub3A_352 : vector<16xi32>
    %max3A_354 = arith.constant 0 : i32
    %max3A_355 = vector.broadcast %max3A_354 : i32 to vector<16xi32>
    %max3A_356 = arith.maxsi %sub3A_353, %max3A_355 : vector<16xi32>
    %broadcast_in_dim3A_357 = vector.shape_cast %max3A_356 : vector<16xi32> to vector<16x1xi32>
    %gather3A_358 = vector.shape_cast %broadcast_in_dim3A_357 : vector<16x1xi32> to vector<16xi32>
    %gather3A_359 = tpu.dynamic_gather %add3A_350[%gather3A_358] in [0] : vector<16xf32>, vector<16xi32> -> vector<16xf32>
    %ge3A_360 = arith.constant 8 : i32
    %ge3A_361 = vector.broadcast %ge3A_360 : i32 to vector<16xi32>
    %ge3A_362 = arith.cmpi sge, %iota3A, %ge3A_361 : vector<16xi32>
    %jit3A_363 = arith.constant 0.000000e+00 : f32
    %broadcast_in_dim3A_364 = vector.broadcast %jit3A_363 : f32 to vector<16xf32>
    %select_n3A_365 = arith.select %ge3A_362, %gather3A_359, %broadcast_in_dim3A_364 : vector<16xi1>, vector<16xf32>
    %add3A_366 = arith.addf %add3A_350, %select_n3A_365 : vector<16xf32>
    %sub3A_367 = arith.constant 1 : i32
    %sub3A_368 = vector.broadcast %sub3A_367 : i32 to vector<16xi32>
    %sub3A_369 = arith.subi %iota3A, %sub3A_368 : vector<16xi32>
    %max3A_370 = arith.constant 0 : i32
    %max3A_371 = vector.broadcast %max3A_370 : i32 to vector<16xi32>
    %max3A_372 = arith.maxsi %sub3A_369, %max3A_371 : vector<16xi32>
    %broadcast_in_dim3A_373 = vector.shape_cast %max3A_372 : vector<16xi32> to vector<16x1xi32>
    %gather3A_374 = vector.shape_cast %broadcast_in_dim3A_373 : vector<16x1xi32> to vector<16xi32>
    %gather3A_375 = tpu.dynamic_gather %mul3A_302[%gather3A_374] in [0] : vector<16xf32>, vector<16xi32> -> vector<16xf32>
    %ge3A_376 = arith.constant 1 : i32
    %ge3A_377 = vector.broadcast %ge3A_376 : i32 to vector<16xi32>
    %ge3A_378 = arith.cmpi sge, %iota3A, %ge3A_377 : vector<16xi32>
    %jit3A_379 = arith.constant 0.000000e+00 : f32
    %broadcast_in_dim3A_380 = vector.broadcast %jit3A_379 : f32 to vector<16xf32>
    %select_n3A_381 = arith.select %ge3A_378, %gather3A_375, %broadcast_in_dim3A_380 : vector<16xi1>, vector<16xf32>
    %add3A_382 = arith.addf %mul3A_302, %select_n3A_381 : vector<16xf32>
    %sub3A_383 = arith.constant 2 : i32
    %sub3A_384 = vector.broadcast %sub3A_383 : i32 to vector<16xi32>
    %sub3A_385 = arith.subi %iota3A, %sub3A_384 : vector<16xi32>
    %max3A_386 = arith.constant 0 : i32
    %max3A_387 = vector.broadcast %max3A_386 : i32 to vector<16xi32>
    %max3A_388 = arith.maxsi %sub3A_385, %max3A_387 : vector<16xi32>
    %broadcast_in_dim3A_389 = vector.shape_cast %max3A_388 : vector<16xi32> to vector<16x1xi32>
    %gather3A_390 = vector.shape_cast %broadcast_in_dim3A_389 : vector<16x1xi32> to vector<16xi32>
    %gather3A_391 = tpu.dynamic_gather %add3A_382[%gather3A_390] in [0] : vector<16xf32>, vector<16xi32> -> vector<16xf32>
    %ge3A_392 = arith.constant 2 : i32
    %ge3A_393 = vector.broadcast %ge3A_392 : i32 to vector<16xi32>
    %ge3A_394 = arith.cmpi sge, %iota3A, %ge3A_393 : vector<16xi32>
    %jit3A_395 = arith.constant 0.000000e+00 : f32
    %broadcast_in_dim3A_396 = vector.broadcast %jit3A_395 : f32 to vector<16xf32>
    %select_n3A_397 = arith.select %ge3A_394, %gather3A_391, %broadcast_in_dim3A_396 : vector<16xi1>, vector<16xf32>
    %add3A_398 = arith.addf %add3A_382, %select_n3A_397 : vector<16xf32>
    %sub3A_399 = arith.constant 4 : i32
    %sub3A_400 = vector.broadcast %sub3A_399 : i32 to vector<16xi32>
    %sub3A_401 = arith.subi %iota3A, %sub3A_400 : vector<16xi32>
    %max3A_402 = arith.constant 0 : i32
    %max3A_403 = vector.broadcast %max3A_402 : i32 to vector<16xi32>
    %max3A_404 = arith.maxsi %sub3A_401, %max3A_403 : vector<16xi32>
    %broadcast_in_dim3A_405 = vector.shape_cast %max3A_404 : vector<16xi32> to vector<16x1xi32>
    %gather3A_406 = vector.shape_cast %broadcast_in_dim3A_405 : vector<16x1xi32> to vector<16xi32>
    %gather3A_407 = tpu.dynamic_gather %add3A_398[%gather3A_406] in [0] : vector<16xf32>, vector<16xi32> -> vector<16xf32>
    %ge3A_408 = arith.constant 4 : i32
    %ge3A_409 = vector.broadcast %ge3A_408 : i32 to vector<16xi32>
    %ge3A_410 = arith.cmpi sge, %iota3A, %ge3A_409 : vector<16xi32>
    %jit3A_411 = arith.constant 0.000000e+00 : f32
    %broadcast_in_dim3A_412 = vector.broadcast %jit3A_411 : f32 to vector<16xf32>
    %select_n3A_413 = arith.select %ge3A_410, %gather3A_407, %broadcast_in_dim3A_412 : vector<16xi1>, vector<16xf32>
    %add3A_414 = arith.addf %add3A_398, %select_n3A_413 : vector<16xf32>
    %sub3A_415 = arith.constant 8 : i32
    %sub3A_416 = vector.broadcast %sub3A_415 : i32 to vector<16xi32>
    %sub3A_417 = arith.subi %iota3A, %sub3A_416 : vector<16xi32>
    %max3A_418 = arith.constant 0 : i32
    %max3A_419 = vector.broadcast %max3A_418 : i32 to vector<16xi32>
    %max3A_420 = arith.maxsi %sub3A_417, %max3A_419 : vector<16xi32>
    %broadcast_in_dim3A_421 = vector.shape_cast %max3A_420 : vector<16xi32> to vector<16x1xi32>
    %gather3A_422 = vector.shape_cast %broadcast_in_dim3A_421 : vector<16x1xi32> to vector<16xi32>
    %gather3A_423 = tpu.dynamic_gather %add3A_414[%gather3A_422] in [0] : vector<16xf32>, vector<16xi32> -> vector<16xf32>
    %ge3A_424 = arith.constant 8 : i32
    %ge3A_425 = vector.broadcast %ge3A_424 : i32 to vector<16xi32>
    %ge3A_426 = arith.cmpi sge, %iota3A, %ge3A_425 : vector<16xi32>
    %jit3A_427 = arith.constant 0.000000e+00 : f32
    %broadcast_in_dim3A_428 = vector.broadcast %jit3A_427 : f32 to vector<16xf32>
    %select_n3A_429 = arith.select %ge3A_426, %gather3A_423, %broadcast_in_dim3A_428 : vector<16xi1>, vector<16xf32>
    %add3A_430 = arith.addf %add3A_414, %select_n3A_429 : vector<16xf32>
    %xor3A_431 = arith.constant 1 : i32
    %xor3A_432 = vector.broadcast %xor3A_431 : i32 to vector<16xi32>
    %xor3A_433 = arith.xori %iota3A, %xor3A_432 : vector<16xi32>
    %broadcast_in_dim3A_434 = vector.shape_cast %xor3A_433 : vector<16xi32> to vector<16x1xi32>
    %gather3A_435 = vector.shape_cast %broadcast_in_dim3A_434 : vector<16x1xi32> to vector<16xi32>
    %gather3A_436 = tpu.dynamic_gather %mul3A_301[%gather3A_435] in [0] : vector<16xf32>, vector<16xi32> -> vector<16xf32>
    %add3A_437 = arith.addf %mul3A_301, %gather3A_436 : vector<16xf32>
    %xor3A_438 = arith.constant 2 : i32
    %xor3A_439 = vector.broadcast %xor3A_438 : i32 to vector<16xi32>
    %xor3A_440 = arith.xori %iota3A, %xor3A_439 : vector<16xi32>
    %broadcast_in_dim3A_441 = vector.shape_cast %xor3A_440 : vector<16xi32> to vector<16x1xi32>
    %gather3A_442 = vector.shape_cast %broadcast_in_dim3A_441 : vector<16x1xi32> to vector<16xi32>
    %gather3A_443 = tpu.dynamic_gather %add3A_437[%gather3A_442] in [0] : vector<16xf32>, vector<16xi32> -> vector<16xf32>
    %add3A_444 = arith.addf %add3A_437, %gather3A_443 : vector<16xf32>
    %xor3A_445 = arith.constant 4 : i32
    %xor3A_446 = vector.broadcast %xor3A_445 : i32 to vector<16xi32>
    %xor3A_447 = arith.xori %iota3A, %xor3A_446 : vector<16xi32>
    %broadcast_in_dim3A_448 = vector.shape_cast %xor3A_447 : vector<16xi32> to vector<16x1xi32>
    %gather3A_449 = vector.shape_cast %broadcast_in_dim3A_448 : vector<16x1xi32> to vector<16xi32>
    %gather3A_450 = tpu.dynamic_gather %add3A_444[%gather3A_449] in [0] : vector<16xf32>, vector<16xi32> -> vector<16xf32>
    %add3A_451 = arith.addf %add3A_444, %gather3A_450 : vector<16xf32>
    %xor3A_452 = arith.constant 8 : i32
    %xor3A_453 = vector.broadcast %xor3A_452 : i32 to vector<16xi32>
    %xor3A_454 = arith.xori %iota3A, %xor3A_453 : vector<16xi32>
    %broadcast_in_dim3A_455 = vector.shape_cast %xor3A_454 : vector<16xi32> to vector<16x1xi32>
    %gather3A_456 = vector.shape_cast %broadcast_in_dim3A_455 : vector<16x1xi32> to vector<16xi32>
    %gather3A_457 = tpu.dynamic_gather %add3A_451[%gather3A_456] in [0] : vector<16xf32>, vector<16xi32> -> vector<16xf32>
    %add3A_458 = arith.addf %add3A_451, %gather3A_457 : vector<16xf32>
    %add3A_459 = arith.addf %add3A_430, %add3A_458 : vector<16xf32>
    %convert_element_type3A_460 = arith.fptosi %add3A_366 : vector<16xf32> to vector<16xi32>
    %jit3A_461 = arith.constant 0 : i32
    %jit3A_462 = arith.constant 50176 : i32
    %max3A_463 = vector.broadcast %jit3A_461 : i32 to vector<16xi32>
    %max3A_464 = arith.maxsi %max3A_463, %convert_element_type3A_460 : vector<16xi32>
    %min3A_465 = vector.broadcast %jit3A_462 : i32 to vector<16xi32>
    %min3A_466 = arith.minsi %min3A_465, %max3A_464 : vector<16xi32>
    %convert_element_type3A_467 = arith.fptosi %add3A_459 : vector<16xf32> to vector<16xi32>
    %jit3A_468 = arith.constant 0 : i32
    %jit3A_469 = arith.constant 50176 : i32
    %max3A_470 = vector.broadcast %jit3A_468 : i32 to vector<16xi32>
    %max3A_471 = arith.maxsi %max3A_470, %convert_element_type3A_467 : vector<16xi32>
    %min3A_472 = vector.broadcast %jit3A_469 : i32 to vector<16xi32>
    %min3A_473 = arith.minsi %min3A_472, %max3A_471 : vector<16xi32>
    %shift_right_arithmetic3A_474 = arith.constant 7 : i32
    %shift_right_arithmetic3A_475 = vector.broadcast %shift_right_arithmetic3A_474 : i32 to vector<16xi32>
    %shift_right_arithmetic3A_476 = arith.shrsi %min3A_466, %shift_right_arithmetic3A_475 : vector<16xi32>
    %min3A_477 = arith.constant 391 : i32
    %min3A_478 = vector.broadcast %min3A_477 : i32 to vector<16xi32>
    %min3A_479 = arith.minsi %shift_right_arithmetic3A_476, %min3A_478 : vector<16xi32>
    %shift_right_arithmetic3A_480 = arith.constant 7 : i32
    %shift_right_arithmetic3A_481 = vector.broadcast %shift_right_arithmetic3A_480 : i32 to vector<16xi32>
    %shift_right_arithmetic3A_482 = arith.shrsi %min3A_473, %shift_right_arithmetic3A_481 : vector<16xi32>
    %min3A_483 = arith.constant 391 : i32
    %min3A_484 = vector.broadcast %min3A_483 : i32 to vector<16xi32>
    %min3A_485 = arith.minsi %shift_right_arithmetic3A_482, %min3A_484 : vector<16xi32>
    %mul3A_486 = arith.constant 392 : i32
    %mul3A_487 = arith.muli %add3A_262, %mul3A_486 : i32
    %add3A_488 = vector.broadcast %mul3A_487 : i32 to vector<16xi32>
    %add3A_489 = arith.addi %add3A_488, %min3A_479 : vector<16xi32>
    %swap3A_490 = arith.constant 0 : index
    %swap3A_491 = tpu.vector_load %arg8[%swap3A_490] {strides = array<i32>} : memref<32xi32, #tpu.memory_space<vmem>>, vector<16xi32>,
    %swap3A_492 = vector.shape_cast %swap3A_491 : vector<16xi32> to vector<16xi32>
    %swap3A_493 = vector.shape_cast %add3A_489 : vector<16xi32> to vector<16xi32>
    tpu.vector_store %arg8[%swap3A_490], %swap3A_493 {strides = array<i32>} : memref<32xi32, #tpu.memory_space<vmem>>, vector<16xi32>,
    %mul3A_494 = arith.constant 392 : i32
    %mul3A_495 = arith.muli %add3A_262, %mul3A_494 : i32
    %add3A_496 = vector.broadcast %mul3A_495 : i32 to vector<16xi32>
    %add3A_497 = arith.addi %add3A_496, %min3A_485 : vector<16xi32>
    %swap3A_498 = arith.constant 16 : index
    %swap3A_499 = tpu.vector_load %arg8[%swap3A_498] {strides = array<i32>} : memref<32xi32, #tpu.memory_space<vmem>>, vector<16xi32>,
    %swap3A_500 = vector.shape_cast %swap3A_499 : vector<16xi32> to vector<16xi32>
    %swap3A_501 = vector.shape_cast %add3A_497 : vector<16xi32> to vector<16xi32>
    tpu.vector_store %arg8[%swap3A_498], %swap3A_501 {strides = array<i32>} : memref<32xi32, #tpu.memory_space<vmem>>, vector<16xi32>,
    %swap3A_502 = arith.constant 0 : index
    %swap3A_503 = tpu.vector_load %arg11[%swap3A_502] {strides = array<i32>} : memref<32xi32, #tpu.memory_space<vmem>>, vector<16xi32>,
    %swap3A_504 = vector.shape_cast %swap3A_503 : vector<16xi32> to vector<16xi32>
    %swap3A_505 = vector.shape_cast %min3A_479 : vector<16xi32> to vector<16xi32>
    tpu.vector_store %arg11[%swap3A_502], %swap3A_505 {strides = array<i32>} : memref<32xi32, #tpu.memory_space<vmem>>, vector<16xi32>,
    %swap3A_506 = arith.constant 16 : index
    %swap3A_507 = tpu.vector_load %arg11[%swap3A_506] {strides = array<i32>} : memref<32xi32, #tpu.memory_space<vmem>>, vector<16xi32>,
    %swap3A_508 = vector.shape_cast %swap3A_507 : vector<16xi32> to vector<16xi32>
    %swap3A_509 = vector.shape_cast %min3A_485 : vector<16xi32> to vector<16xi32>
    tpu.vector_store %arg11[%swap3A_506], %swap3A_509 {strides = array<i32>} : memref<32xi32, #tpu.memory_space<vmem>>, vector<16xi32>,
    %mul3A_510 = arith.constant 128 : i32
    %mul3A_511 = vector.broadcast %mul3A_510 : i32 to vector<16xi32>
    %mul3A_512 = arith.muli %min3A_479, %mul3A_511 : vector<16xi32>
    %sub3A_513 = arith.subi %min3A_466, %mul3A_512 : vector<16xi32>
    %swap3A_514 = arith.constant 32 : index
    %swap3A_515 = tpu.vector_load %arg13[%swap3A_514] {strides = array<i32>} : memref<96xi32, #tpu.memory_space<vmem>>, vector<16xi32>,
    %swap3A_516 = vector.shape_cast %swap3A_515 : vector<16xi32> to vector<16xi32>
    %swap3A_517 = vector.shape_cast %sub3A_513 : vector<16xi32> to vector<16xi32>
    tpu.vector_store %arg13[%swap3A_514], %swap3A_517 {strides = array<i32>} : memref<96xi32, #tpu.memory_space<vmem>>, vector<16xi32>,
    %mul3A_518 = arith.constant 128 : i32
    %mul3A_519 = vector.broadcast %mul3A_518 : i32 to vector<16xi32>
    %mul3A_520 = arith.muli %min3A_485, %mul3A_519 : vector<16xi32>
    %sub3A_521 = arith.subi %min3A_473, %mul3A_520 : vector<16xi32>
    %swap3A_522 = arith.constant 48 : index
    %swap3A_523 = tpu.vector_load %arg13[%swap3A_522] {strides = array<i32>} : memref<96xi32, #tpu.memory_space<vmem>>, vector<16xi32>,
    %swap3A_524 = vector.shape_cast %swap3A_523 : vector<16xi32> to vector<16xi32>
    %swap3A_525 = vector.shape_cast %sub3A_521 : vector<16xi32> to vector<16xi32>
    tpu.vector_store %arg13[%swap3A_522], %swap3A_525 {strides = array<i32>} : memref<96xi32, #tpu.memory_space<vmem>>, vector<16xi32>,
    %dma_start3A_526 = arith.constant 0 : i32
    %dma_start3A_527 = arith.constant 0 : i32
    %dma_start3A_528 = tpu.memref_slice %arg3[%dma_start3A_526, %dma_start3A_527] : memref<37632x128xf32, #tpu.memory_space<hbm>> -> memref<37632x128xf32, #tpu.memory_space<hbm>>
    tpu.enqueue_indirect_dma source(%dma_start3A_528 : memref<37632x128xf32, #tpu.memory_space<hbm>>) target(%arg15 : memref<32x128xf32, #tpu.memory_space<vmem>>) offsets(%arg8 : memref<32xi32, #tpu.memory_space<vmem>>) semaphore(%arg21 : memref<!tpu.dma_semaphore, #tpu.memory_space<semaphore_mem>>)
    %dma_start3A_529 = arith.constant 0 : i32
    %dma_start3A_530 = arith.constant 0 : i32
    %dma_start3A_531 = tpu.memref_slice %arg4[%dma_start3A_529, %dma_start3A_530] : memref<392x128xf32, #tpu.memory_space<hbm>> -> memref<392x128xf32, #tpu.memory_space<hbm>>
    tpu.enqueue_indirect_dma source(%dma_start3A_531 : memref<392x128xf32, #tpu.memory_space<hbm>>) target(%arg18 : memref<32x128xf32, #tpu.memory_space<vmem>>) offsets(%arg11 : memref<32xi32, #tpu.memory_space<vmem>>) semaphore(%arg21 : memref<!tpu.dma_semaphore, #tpu.memory_space<semaphore_mem>>)
    %mul3A_532 = arith.constant 3 : i32
    %mul3A_533 = arith.muli %add3A, %mul3A_532 : i32
    %add3A_534 = arith.constant 2 : i32
    %add3A_535 = arith.addi %mul3A_533, %add3A_534 : i32
    "tpu.region"() ({
      %run_scoped3A = tpu.sem_alloc : memref<!tpu.dma_semaphore, #tpu.memory_space<semaphore_mem>>
      %dma_start3A_881 = arith.constant 0 : i32
      %dma_start3A_882 = tpu.memref_slice %arg2[%add3A_535, %dma_start3A_881] : memref<96x32xf32, #tpu.memory_space<hbm>> -> memref<1x32xf32, #tpu.memory_space<hbm>>
      %dma_start3A_883 = tpu.memref_squeeze %dma_start3A_882 : memref<1x32xf32, #tpu.memory_space<hbm>> -> memref<32xf32, #tpu.memory_space<hbm>>
      %dma_start3A_884 = arith.constant 0 : i32
      %dma_start3A_885 = tpu.memref_slice %arg2[%add3A_535, %dma_start3A_884] : memref<96x32xf32, #tpu.memory_space<hbm>> -> memref<1x32xf32, #tpu.memory_space<hbm>>
      %dma_start3A_886 = tpu.memref_squeeze %dma_start3A_885 : memref<1x32xf32, #tpu.memory_space<hbm>> -> memref<32xf32, #tpu.memory_space<hbm>>
      tpu.enqueue_dma source(%dma_start3A_886 : memref<32xf32, #tpu.memory_space<hbm>>) target(%arg6 : memref<32xf32, #tpu.memory_space<vmem>>) target_semaphore(%run_scoped3A : memref<!tpu.dma_semaphore, #tpu.memory_space<semaphore_mem>>)
      %dma_wait3A_887 = arith.constant 0 : i32
      %dma_wait3A_888 = tpu.memref_slice %arg2[%add3A_535, %dma_wait3A_887] : memref<96x32xf32, #tpu.memory_space<hbm>> -> memref<1x32xf32, #tpu.memory_space<hbm>>
      %dma_wait3A_889 = tpu.memref_squeeze %dma_wait3A_888 : memref<1x32xf32, #tpu.memory_space<hbm>> -> memref<32xf32, #tpu.memory_space<hbm>>
      %dma_wait3A_890 = arith.constant 0 : i32
      %dma_wait3A_891 = tpu.memref_slice %arg2[%add3A_535, %dma_wait3A_890] : memref<96x32xf32, #tpu.memory_space<hbm>> -> memref<1x32xf32, #tpu.memory_space<hbm>>
      %dma_wait3A_892 = tpu.memref_squeeze %dma_wait3A_891 : memref<1x32xf32, #tpu.memory_space<hbm>> -> memref<32xf32, #tpu.memory_space<hbm>>
      tpu.wait_dma2 semaphore(%run_scoped3A : memref<!tpu.dma_semaphore, #tpu.memory_space<semaphore_mem>>) src(%dma_wait3A_892 : memref<32xf32, #tpu.memory_space<hbm>>) dst(%arg6 : memref<32xf32, #tpu.memory_space<vmem>>)
      tpu.yield
    }) : () -> ()
    %get3A_536 = arith.constant 0 : index
    %get3A_537 = tpu.vector_load %arg6[%get3A_536] {strides = array<i32>} : memref<32xf32, #tpu.memory_space<vmem>>, vector<16xf32>,
    %get3A_538 = vector.shape_cast %get3A_537 : vector<16xf32> to vector<16xf32>
    %get3A_539 = arith.constant 16 : index
    %get3A_540 = tpu.vector_load %arg6[%get3A_539] {strides = array<i32>} : memref<32xf32, #tpu.memory_space<vmem>>, vector<16xf32>,
    %get3A_541 = vector.shape_cast %get3A_540 : vector<16xf32> to vector<16xf32>
    %add3A_542 = arith.addf %get3A_538, %get3A_541 : vector<16xf32>
    %xor3A_543 = arith.constant 1 : i32
    %xor3A_544 = vector.broadcast %xor3A_543 : i32 to vector<16xi32>
    %xor3A_545 = arith.xori %iota3A, %xor3A_544 : vector<16xi32>
    %broadcast_in_dim3A_546 = vector.shape_cast %xor3A_545 : vector<16xi32> to vector<16x1xi32>
    %gather3A_547 = vector.shape_cast %broadcast_in_dim3A_546 : vector<16x1xi32> to vector<16xi32>
    %gather3A_548 = tpu.dynamic_gather %add3A_542[%gather3A_547] in [0] : vector<16xf32>, vector<16xi32> -> vector<16xf32>
    %add3A_549 = arith.addf %add3A_542, %gather3A_548 : vector<16xf32>
    %xor3A_550 = arith.constant 2 : i32
    %xor3A_551 = vector.broadcast %xor3A_550 : i32 to vector<16xi32>
    %xor3A_552 = arith.xori %iota3A, %xor3A_551 : vector<16xi32>
    %broadcast_in_dim3A_553 = vector.shape_cast %xor3A_552 : vector<16xi32> to vector<16x1xi32>
    %gather3A_554 = vector.shape_cast %broadcast_in_dim3A_553 : vector<16x1xi32> to vector<16xi32>
    %gather3A_555 = tpu.dynamic_gather %add3A_549[%gather3A_554] in [0] : vector<16xf32>, vector<16xi32> -> vector<16xf32>
    %add3A_556 = arith.addf %add3A_549, %gather3A_555 : vector<16xf32>
    %xor3A_557 = arith.constant 4 : i32
    %xor3A_558 = vector.broadcast %xor3A_557 : i32 to vector<16xi32>
    %xor3A_559 = arith.xori %iota3A, %xor3A_558 : vector<16xi32>
    %broadcast_in_dim3A_560 = vector.shape_cast %xor3A_559 : vector<16xi32> to vector<16x1xi32>
    %gather3A_561 = vector.shape_cast %broadcast_in_dim3A_560 : vector<16x1xi32> to vector<16xi32>
    %gather3A_562 = tpu.dynamic_gather %add3A_556[%gather3A_561] in [0] : vector<16xf32>, vector<16xi32> -> vector<16xf32>
    %add3A_563 = arith.addf %add3A_556, %gather3A_562 : vector<16xf32>
    %xor3A_564 = arith.constant 8 : i32
    %xor3A_565 = vector.broadcast %xor3A_564 : i32 to vector<16xi32>
    %xor3A_566 = arith.xori %iota3A, %xor3A_565 : vector<16xi32>
    %broadcast_in_dim3A_567 = vector.shape_cast %xor3A_566 : vector<16xi32> to vector<16x1xi32>
    %gather3A_568 = vector.shape_cast %broadcast_in_dim3A_567 : vector<16x1xi32> to vector<16xi32>
    %gather3A_569 = tpu.dynamic_gather %add3A_563[%gather3A_568] in [0] : vector<16xf32>, vector<16xi32> -> vector<16xf32>
    %add3A_570 = arith.addf %add3A_563, %gather3A_569 : vector<16xf32>
    %div3A_571 = arith.constant 5.017600e+04 : f32
    %div3A_572 = vector.broadcast %div3A_571 : f32 to vector<16xf32>
    %div3A_573 = arith.divf %div3A_572, %add3A_570 : vector<16xf32>
    %mul3A_574 = arith.mulf %get3A_538, %div3A_573 : vector<16xf32>
    %mul3A_575 = arith.mulf %get3A_541, %div3A_573 : vector<16xf32>
    %sub3A_576 = arith.constant 1 : i32
    %sub3A_577 = vector.broadcast %sub3A_576 : i32 to vector<16xi32>
    %sub3A_578 = arith.subi %iota3A, %sub3A_577 : vector<16xi32>
    %max3A_579 = arith.constant 0 : i32
    %max3A_580 = vector.broadcast %max3A_579 : i32 to vector<16xi32>
    %max3A_581 = arith.maxsi %sub3A_578, %max3A_580 : vector<16xi32>
    %broadcast_in_dim3A_582 = vector.shape_cast %max3A_581 : vector<16xi32> to vector<16x1xi32>
    %gather3A_583 = vector.shape_cast %broadcast_in_dim3A_582 : vector<16x1xi32> to vector<16xi32>
    %gather3A_584 = tpu.dynamic_gather %mul3A_574[%gather3A_583] in [0] : vector<16xf32>, vector<16xi32> -> vector<16xf32>
    %ge3A_585 = arith.constant 1 : i32
    %ge3A_586 = vector.broadcast %ge3A_585 : i32 to vector<16xi32>
    %ge3A_587 = arith.cmpi sge, %iota3A, %ge3A_586 : vector<16xi32>
    %jit3A_588 = arith.constant 0.000000e+00 : f32
    %broadcast_in_dim3A_589 = vector.broadcast %jit3A_588 : f32 to vector<16xf32>
    %select_n3A_590 = arith.select %ge3A_587, %gather3A_584, %broadcast_in_dim3A_589 : vector<16xi1>, vector<16xf32>
    %add3A_591 = arith.addf %mul3A_574, %select_n3A_590 : vector<16xf32>
    %sub3A_592 = arith.constant 2 : i32
    %sub3A_593 = vector.broadcast %sub3A_592 : i32 to vector<16xi32>
    %sub3A_594 = arith.subi %iota3A, %sub3A_593 : vector<16xi32>
    %max3A_595 = arith.constant 0 : i32
    %max3A_596 = vector.broadcast %max3A_595 : i32 to vector<16xi32>
    %max3A_597 = arith.maxsi %sub3A_594, %max3A_596 : vector<16xi32>
    %broadcast_in_dim3A_598 = vector.shape_cast %max3A_597 : vector<16xi32> to vector<16x1xi32>
    %gather3A_599 = vector.shape_cast %broadcast_in_dim3A_598 : vector<16x1xi32> to vector<16xi32>
    %gather3A_600 = tpu.dynamic_gather %add3A_591[%gather3A_599] in [0] : vector<16xf32>, vector<16xi32> -> vector<16xf32>
    %ge3A_601 = arith.constant 2 : i32
    %ge3A_602 = vector.broadcast %ge3A_601 : i32 to vector<16xi32>
    %ge3A_603 = arith.cmpi sge, %iota3A, %ge3A_602 : vector<16xi32>
    %jit3A_604 = arith.constant 0.000000e+00 : f32
    %broadcast_in_dim3A_605 = vector.broadcast %jit3A_604 : f32 to vector<16xf32>
    %select_n3A_606 = arith.select %ge3A_603, %gather3A_600, %broadcast_in_dim3A_605 : vector<16xi1>, vector<16xf32>
    %add3A_607 = arith.addf %add3A_591, %select_n3A_606 : vector<16xf32>
    %sub3A_608 = arith.constant 4 : i32
    %sub3A_609 = vector.broadcast %sub3A_608 : i32 to vector<16xi32>
    %sub3A_610 = arith.subi %iota3A, %sub3A_609 : vector<16xi32>
    %max3A_611 = arith.constant 0 : i32
    %max3A_612 = vector.broadcast %max3A_611 : i32 to vector<16xi32>
    %max3A_613 = arith.maxsi %sub3A_610, %max3A_612 : vector<16xi32>
    %broadcast_in_dim3A_614 = vector.shape_cast %max3A_613 : vector<16xi32> to vector<16x1xi32>
    %gather3A_615 = vector.shape_cast %broadcast_in_dim3A_614 : vector<16x1xi32> to vector<16xi32>
    %gather3A_616 = tpu.dynamic_gather %add3A_607[%gather3A_615] in [0] : vector<16xf32>, vector<16xi32> -> vector<16xf32>
    %ge3A_617 = arith.constant 4 : i32
    %ge3A_618 = vector.broadcast %ge3A_617 : i32 to vector<16xi32>
    %ge3A_619 = arith.cmpi sge, %iota3A, %ge3A_618 : vector<16xi32>
    %jit3A_620 = arith.constant 0.000000e+00 : f32
    %broadcast_in_dim3A_621 = vector.broadcast %jit3A_620 : f32 to vector<16xf32>
    %select_n3A_622 = arith.select %ge3A_619, %gather3A_616, %broadcast_in_dim3A_621 : vector<16xi1>, vector<16xf32>
    %add3A_623 = arith.addf %add3A_607, %select_n3A_622 : vector<16xf32>
    %sub3A_624 = arith.constant 8 : i32
    %sub3A_625 = vector.broadcast %sub3A_624 : i32 to vector<16xi32>
    %sub3A_626 = arith.subi %iota3A, %sub3A_625 : vector<16xi32>
    %max3A_627 = arith.constant 0 : i32
    %max3A_628 = vector.broadcast %max3A_627 : i32 to vector<16xi32>
    %max3A_629 = arith.maxsi %sub3A_626, %max3A_628 : vector<16xi32>
    %broadcast_in_dim3A_630 = vector.shape_cast %max3A_629 : vector<16xi32> to vector<16x1xi32>
    %gather3A_631 = vector.shape_cast %broadcast_in_dim3A_630 : vector<16x1xi32> to vector<16xi32>
    %gather3A_632 = tpu.dynamic_gather %add3A_623[%gather3A_631] in [0] : vector<16xf32>, vector<16xi32> -> vector<16xf32>
    %ge3A_633 = arith.constant 8 : i32
    %ge3A_634 = vector.broadcast %ge3A_633 : i32 to vector<16xi32>
    %ge3A_635 = arith.cmpi sge, %iota3A, %ge3A_634 : vector<16xi32>
    %jit3A_636 = arith.constant 0.000000e+00 : f32
    %broadcast_in_dim3A_637 = vector.broadcast %jit3A_636 : f32 to vector<16xf32>
    %select_n3A_638 = arith.select %ge3A_635, %gather3A_632, %broadcast_in_dim3A_637 : vector<16xi1>, vector<16xf32>
    %add3A_639 = arith.addf %add3A_623, %select_n3A_638 : vector<16xf32>
    %sub3A_640 = arith.constant 1 : i32
    %sub3A_641 = vector.broadcast %sub3A_640 : i32 to vector<16xi32>
    %sub3A_642 = arith.subi %iota3A, %sub3A_641 : vector<16xi32>
    %max3A_643 = arith.constant 0 : i32
    %max3A_644 = vector.broadcast %max3A_643 : i32 to vector<16xi32>
    %max3A_645 = arith.maxsi %sub3A_642, %max3A_644 : vector<16xi32>
    %broadcast_in_dim3A_646 = vector.shape_cast %max3A_645 : vector<16xi32> to vector<16x1xi32>
    %gather3A_647 = vector.shape_cast %broadcast_in_dim3A_646 : vector<16x1xi32> to vector<16xi32>
    %gather3A_648 = tpu.dynamic_gather %mul3A_575[%gather3A_647] in [0] : vector<16xf32>, vector<16xi32> -> vector<16xf32>
    %ge3A_649 = arith.constant 1 : i32
    %ge3A_650 = vector.broadcast %ge3A_649 : i32 to vector<16xi32>
    %ge3A_651 = arith.cmpi sge, %iota3A, %ge3A_650 : vector<16xi32>
    %jit3A_652 = arith.constant 0.000000e+00 : f32
    %broadcast_in_dim3A_653 = vector.broadcast %jit3A_652 : f32 to vector<16xf32>
    %select_n3A_654 = arith.select %ge3A_651, %gather3A_648, %broadcast_in_dim3A_653 : vector<16xi1>, vector<16xf32>
    %add3A_655 = arith.addf %mul3A_575, %select_n3A_654 : vector<16xf32>
    %sub3A_656 = arith.constant 2 : i32
    %sub3A_657 = vector.broadcast %sub3A_656 : i32 to vector<16xi32>
    %sub3A_658 = arith.subi %iota3A, %sub3A_657 : vector<16xi32>
    %max3A_659 = arith.constant 0 : i32
    %max3A_660 = vector.broadcast %max3A_659 : i32 to vector<16xi32>
    %max3A_661 = arith.maxsi %sub3A_658, %max3A_660 : vector<16xi32>
    %broadcast_in_dim3A_662 = vector.shape_cast %max3A_661 : vector<16xi32> to vector<16x1xi32>
    %gather3A_663 = vector.shape_cast %broadcast_in_dim3A_662 : vector<16x1xi32> to vector<16xi32>
    %gather3A_664 = tpu.dynamic_gather %add3A_655[%gather3A_663] in [0] : vector<16xf32>, vector<16xi32> -> vector<16xf32>
    %ge3A_665 = arith.constant 2 : i32
    %ge3A_666 = vector.broadcast %ge3A_665 : i32 to vector<16xi32>
    %ge3A_667 = arith.cmpi sge, %iota3A, %ge3A_666 : vector<16xi32>
    %jit3A_668 = arith.constant 0.000000e+00 : f32
    %broadcast_in_dim3A_669 = vector.broadcast %jit3A_668 : f32 to vector<16xf32>
    %select_n3A_670 = arith.select %ge3A_667, %gather3A_664, %broadcast_in_dim3A_669 : vector<16xi1>, vector<16xf32>
    %add3A_671 = arith.addf %add3A_655, %select_n3A_670 : vector<16xf32>
    %sub3A_672 = arith.constant 4 : i32
    %sub3A_673 = vector.broadcast %sub3A_672 : i32 to vector<16xi32>
    %sub3A_674 = arith.subi %iota3A, %sub3A_673 : vector<16xi32>
    %max3A_675 = arith.constant 0 : i32
    %max3A_676 = vector.broadcast %max3A_675 : i32 to vector<16xi32>
    %max3A_677 = arith.maxsi %sub3A_674, %max3A_676 : vector<16xi32>
    %broadcast_in_dim3A_678 = vector.shape_cast %max3A_677 : vector<16xi32> to vector<16x1xi32>
    %gather3A_679 = vector.shape_cast %broadcast_in_dim3A_678 : vector<16x1xi32> to vector<16xi32>
    %gather3A_680 = tpu.dynamic_gather %add3A_671[%gather3A_679] in [0] : vector<16xf32>, vector<16xi32> -> vector<16xf32>
    %ge3A_681 = arith.constant 4 : i32
    %ge3A_682 = vector.broadcast %ge3A_681 : i32 to vector<16xi32>
    %ge3A_683 = arith.cmpi sge, %iota3A, %ge3A_682 : vector<16xi32>
    %jit3A_684 = arith.constant 0.000000e+00 : f32
    %broadcast_in_dim3A_685 = vector.broadcast %jit3A_684 : f32 to vector<16xf32>
    %select_n3A_686 = arith.select %ge3A_683, %gather3A_680, %broadcast_in_dim3A_685 : vector<16xi1>, vector<16xf32>
    %add3A_687 = arith.addf %add3A_671, %select_n3A_686 : vector<16xf32>
    %sub3A_688 = arith.constant 8 : i32
    %sub3A_689 = vector.broadcast %sub3A_688 : i32 to vector<16xi32>
    %sub3A_690 = arith.subi %iota3A, %sub3A_689 : vector<16xi32>
    %max3A_691 = arith.constant 0 : i32
    %max3A_692 = vector.broadcast %max3A_691 : i32 to vector<16xi32>
    %max3A_693 = arith.maxsi %sub3A_690, %max3A_692 : vector<16xi32>
    %broadcast_in_dim3A_694 = vector.shape_cast %max3A_693 : vector<16xi32> to vector<16x1xi32>
    %gather3A_695 = vector.shape_cast %broadcast_in_dim3A_694 : vector<16x1xi32> to vector<16xi32>
    %gather3A_696 = tpu.dynamic_gather %add3A_687[%gather3A_695] in [0] : vector<16xf32>, vector<16xi32> -> vector<16xf32>
    %ge3A_697 = arith.constant 8 : i32
    %ge3A_698 = vector.broadcast %ge3A_697 : i32 to vector<16xi32>
    %ge3A_699 = arith.cmpi sge, %iota3A, %ge3A_698 : vector<16xi32>
    %jit3A_700 = arith.constant 0.000000e+00 : f32
    %broadcast_in_dim3A_701 = vector.broadcast %jit3A_700 : f32 to vector<16xf32>
    %select_n3A_702 = arith.select %ge3A_699, %gather3A_696, %broadcast_in_dim3A_701 : vector<16xi1>, vector<16xf32>
    %add3A_703 = arith.addf %add3A_687, %select_n3A_702 : vector<16xf32>
    %xor3A_704 = arith.constant 1 : i32
    %xor3A_705 = vector.broadcast %xor3A_704 : i32 to vector<16xi32>
    %xor3A_706 = arith.xori %iota3A, %xor3A_705 : vector<16xi32>
    %broadcast_in_dim3A_707 = vector.shape_cast %xor3A_706 : vector<16xi32> to vector<16x1xi32>
    %gather3A_708 = vector.shape_cast %broadcast_in_dim3A_707 : vector<16x1xi32> to vector<16xi32>
    %gather3A_709 = tpu.dynamic_gather %mul3A_574[%gather3A_708] in [0] : vector<16xf32>, vector<16xi32> -> vector<16xf32>
    %add3A_710 = arith.addf %mul3A_574, %gather3A_709 : vector<16xf32>
    %xor3A_711 = arith.constant 2 : i32
    %xor3A_712 = vector.broadcast %xor3A_711 : i32 to vector<16xi32>
    %xor3A_713 = arith.xori %iota3A, %xor3A_712 : vector<16xi32>
    %broadcast_in_dim3A_714 = vector.shape_cast %xor3A_713 : vector<16xi32> to vector<16x1xi32>
    %gather3A_715 = vector.shape_cast %broadcast_in_dim3A_714 : vector<16x1xi32> to vector<16xi32>
    %gather3A_716 = tpu.dynamic_gather %add3A_710[%gather3A_715] in [0] : vector<16xf32>, vector<16xi32> -> vector<16xf32>
    %add3A_717 = arith.addf %add3A_710, %gather3A_716 : vector<16xf32>
    %xor3A_718 = arith.constant 4 : i32
    %xor3A_719 = vector.broadcast %xor3A_718 : i32 to vector<16xi32>
    %xor3A_720 = arith.xori %iota3A, %xor3A_719 : vector<16xi32>
    %broadcast_in_dim3A_721 = vector.shape_cast %xor3A_720 : vector<16xi32> to vector<16x1xi32>
    %gather3A_722 = vector.shape_cast %broadcast_in_dim3A_721 : vector<16x1xi32> to vector<16xi32>
    %gather3A_723 = tpu.dynamic_gather %add3A_717[%gather3A_722] in [0] : vector<16xf32>, vector<16xi32> -> vector<16xf32>
    %add3A_724 = arith.addf %add3A_717, %gather3A_723 : vector<16xf32>
    %xor3A_725 = arith.constant 8 : i32
    %xor3A_726 = vector.broadcast %xor3A_725 : i32 to vector<16xi32>
    %xor3A_727 = arith.xori %iota3A, %xor3A_726 : vector<16xi32>
    %broadcast_in_dim3A_728 = vector.shape_cast %xor3A_727 : vector<16xi32> to vector<16x1xi32>
    %gather3A_729 = vector.shape_cast %broadcast_in_dim3A_728 : vector<16x1xi32> to vector<16xi32>
    %gather3A_730 = tpu.dynamic_gather %add3A_724[%gather3A_729] in [0] : vector<16xf32>, vector<16xi32> -> vector<16xf32>
    %add3A_731 = arith.addf %add3A_724, %gather3A_730 : vector<16xf32>
    %add3A_732 = arith.addf %add3A_703, %add3A_731 : vector<16xf32>
    %convert_element_type3A_733 = arith.fptosi %add3A_639 : vector<16xf32> to vector<16xi32>
    %jit3A_734 = arith.constant 0 : i32
    %jit3A_735 = arith.constant 50176 : i32
    %max3A_736 = vector.broadcast %jit3A_734 : i32 to vector<16xi32>
    %max3A_737 = arith.maxsi %max3A_736, %convert_element_type3A_733 : vector<16xi32>
    %min3A_738 = vector.broadcast %jit3A_735 : i32 to vector<16xi32>
    %min3A_739 = arith.minsi %min3A_738, %max3A_737 : vector<16xi32>
    %convert_element_type3A_740 = arith.fptosi %add3A_732 : vector<16xf32> to vector<16xi32>
    %jit3A_741 = arith.constant 0 : i32
    %jit3A_742 = arith.constant 50176 : i32
    %max3A_743 = vector.broadcast %jit3A_741 : i32 to vector<16xi32>
    %max3A_744 = arith.maxsi %max3A_743, %convert_element_type3A_740 : vector<16xi32>
    %min3A_745 = vector.broadcast %jit3A_742 : i32 to vector<16xi32>
    %min3A_746 = arith.minsi %min3A_745, %max3A_744 : vector<16xi32>
    %shift_right_arithmetic3A_747 = arith.constant 7 : i32
    %shift_right_arithmetic3A_748 = vector.broadcast %shift_right_arithmetic3A_747 : i32 to vector<16xi32>
    %shift_right_arithmetic3A_749 = arith.shrsi %min3A_739, %shift_right_arithmetic3A_748 : vector<16xi32>
    %min3A_750 = arith.constant 391 : i32
    %min3A_751 = vector.broadcast %min3A_750 : i32 to vector<16xi32>
    %min3A_752 = arith.minsi %shift_right_arithmetic3A_749, %min3A_751 : vector<16xi32>
    %shift_right_arithmetic3A_753 = arith.constant 7 : i32
    %shift_right_arithmetic3A_754 = vector.broadcast %shift_right_arithmetic3A_753 : i32 to vector<16xi32>
    %shift_right_arithmetic3A_755 = arith.shrsi %min3A_746, %shift_right_arithmetic3A_754 : vector<16xi32>
    %min3A_756 = arith.constant 391 : i32
    %min3A_757 = vector.broadcast %min3A_756 : i32 to vector<16xi32>
    %min3A_758 = arith.minsi %shift_right_arithmetic3A_755, %min3A_757 : vector<16xi32>
    %mul3A_759 = arith.constant 392 : i32
    %mul3A_760 = arith.muli %add3A_535, %mul3A_759 : i32
    %add3A_761 = vector.broadcast %mul3A_760 : i32 to vector<16xi32>
    %add3A_762 = arith.addi %add3A_761, %min3A_752 : vector<16xi32>
    %swap3A_763 = arith.constant 0 : index
    %swap3A_764 = tpu.vector_load %arg9[%swap3A_763] {strides = array<i32>} : memref<32xi32, #tpu.memory_space<vmem>>, vector<16xi32>,
    %swap3A_765 = vector.shape_cast %swap3A_764 : vector<16xi32> to vector<16xi32>
    %swap3A_766 = vector.shape_cast %add3A_762 : vector<16xi32> to vector<16xi32>
    tpu.vector_store %arg9[%swap3A_763], %swap3A_766 {strides = array<i32>} : memref<32xi32, #tpu.memory_space<vmem>>, vector<16xi32>,
    %mul3A_767 = arith.constant 392 : i32
    %mul3A_768 = arith.muli %add3A_535, %mul3A_767 : i32
    %add3A_769 = vector.broadcast %mul3A_768 : i32 to vector<16xi32>
    %add3A_770 = arith.addi %add3A_769, %min3A_758 : vector<16xi32>
    %swap3A_771 = arith.constant 16 : index
    %swap3A_772 = tpu.vector_load %arg9[%swap3A_771] {strides = array<i32>} : memref<32xi32, #tpu.memory_space<vmem>>, vector<16xi32>,
    %swap3A_773 = vector.shape_cast %swap3A_772 : vector<16xi32> to vector<16xi32>
    %swap3A_774 = vector.shape_cast %add3A_770 : vector<16xi32> to vector<16xi32>
    tpu.vector_store %arg9[%swap3A_771], %swap3A_774 {strides = array<i32>} : memref<32xi32, #tpu.memory_space<vmem>>, vector<16xi32>,
    %swap3A_775 = arith.constant 0 : index
    %swap3A_776 = tpu.vector_load %arg12[%swap3A_775] {strides = array<i32>} : memref<32xi32, #tpu.memory_space<vmem>>, vector<16xi32>,
    %swap3A_777 = vector.shape_cast %swap3A_776 : vector<16xi32> to vector<16xi32>
    %swap3A_778 = vector.shape_cast %min3A_752 : vector<16xi32> to vector<16xi32>
    tpu.vector_store %arg12[%swap3A_775], %swap3A_778 {strides = array<i32>} : memref<32xi32, #tpu.memory_space<vmem>>, vector<16xi32>,
    %swap3A_779 = arith.constant 16 : index
    %swap3A_780 = tpu.vector_load %arg12[%swap3A_779] {strides = array<i32>} : memref<32xi32, #tpu.memory_space<vmem>>, vector<16xi32>,
    %swap3A_781 = vector.shape_cast %swap3A_780 : vector<16xi32> to vector<16xi32>
    %swap3A_782 = vector.shape_cast %min3A_758 : vector<16xi32> to vector<16xi32>
    tpu.vector_store %arg12[%swap3A_779], %swap3A_782 {strides = array<i32>} : memref<32xi32, #tpu.memory_space<vmem>>, vector<16xi32>,
    %mul3A_783 = arith.constant 128 : i32
    %mul3A_784 = vector.broadcast %mul3A_783 : i32 to vector<16xi32>
    %mul3A_785 = arith.muli %min3A_752, %mul3A_784 : vector<16xi32>
    %sub3A_786 = arith.subi %min3A_739, %mul3A_785 : vector<16xi32>
    %swap3A_787 = arith.constant 64 : index
    %swap3A_788 = tpu.vector_load %arg13[%swap3A_787] {strides = array<i32>} : memref<96xi32, #tpu.memory_space<vmem>>, vector<16xi32>,
    %swap3A_789 = vector.shape_cast %swap3A_788 : vector<16xi32> to vector<16xi32>
    %swap3A_790 = vector.shape_cast %sub3A_786 : vector<16xi32> to vector<16xi32>
    tpu.vector_store %arg13[%swap3A_787], %swap3A_790 {strides = array<i32>} : memref<96xi32, #tpu.memory_space<vmem>>, vector<16xi32>,
    %mul3A_791 = arith.constant 128 : i32
    %mul3A_792 = vector.broadcast %mul3A_791 : i32 to vector<16xi32>
    %mul3A_793 = arith.muli %min3A_758, %mul3A_792 : vector<16xi32>
    %sub3A_794 = arith.subi %min3A_746, %mul3A_793 : vector<16xi32>
    %swap3A_795 = arith.constant 80 : index
    %swap3A_796 = tpu.vector_load %arg13[%swap3A_795] {strides = array<i32>} : memref<96xi32, #tpu.memory_space<vmem>>, vector<16xi32>,
    %swap3A_797 = vector.shape_cast %swap3A_796 : vector<16xi32> to vector<16xi32>
    %swap3A_798 = vector.shape_cast %sub3A_794 : vector<16xi32> to vector<16xi32>
    tpu.vector_store %arg13[%swap3A_795], %swap3A_798 {strides = array<i32>} : memref<96xi32, #tpu.memory_space<vmem>>, vector<16xi32>,
    %dma_start3A_799 = arith.constant 0 : i32
    %dma_start3A_800 = arith.constant 0 : i32
    %dma_start3A_801 = tpu.memref_slice %arg3[%dma_start3A_799, %dma_start3A_800] : memref<37632x128xf32, #tpu.memory_space<hbm>> -> memref<37632x128xf32, #tpu.memory_space<hbm>>
    tpu.enqueue_indirect_dma source(%dma_start3A_801 : memref<37632x128xf32, #tpu.memory_space<hbm>>) target(%arg16 : memref<32x128xf32, #tpu.memory_space<vmem>>) offsets(%arg9 : memref<32xi32, #tpu.memory_space<vmem>>) semaphore(%arg21 : memref<!tpu.dma_semaphore, #tpu.memory_space<semaphore_mem>>)
    %dma_start3A_802 = arith.constant 0 : i32
    %dma_start3A_803 = arith.constant 0 : i32
    %dma_start3A_804 = tpu.memref_slice %arg4[%dma_start3A_802, %dma_start3A_803] : memref<392x128xf32, #tpu.memory_space<hbm>> -> memref<392x128xf32, #tpu.memory_space<hbm>>
    tpu.enqueue_indirect_dma source(%dma_start3A_804 : memref<392x128xf32, #tpu.memory_space<hbm>>) target(%arg19 : memref<32x128xf32, #tpu.memory_space<vmem>>) offsets(%arg12 : memref<32xi32, #tpu.memory_space<vmem>>) semaphore(%arg21 : memref<!tpu.dma_semaphore, #tpu.memory_space<semaphore_mem>>)
    %dma_wait3A = arith.constant 0 : i32
    %dma_wait3A_805 = arith.constant 0 : i32
    %dma_wait3A_806 = tpu.memref_slice %arg3[%dma_wait3A, %dma_wait3A_805] : memref<37632x128xf32, #tpu.memory_space<hbm>> -> memref<37632x128xf32, #tpu.memory_space<hbm>>
    tpu.wait_indirect_dma semaphore(%arg21 : memref<!tpu.dma_semaphore, #tpu.memory_space<semaphore_mem>>) src(%dma_wait3A_806 : memref<37632x128xf32, #tpu.memory_space<hbm>>) dst(%arg14 : memref<32x128xf32, #tpu.memory_space<vmem>>)
    %dma_wait3A_807 = arith.constant 0 : i32
    %dma_wait3A_808 = arith.constant 0 : i32
    %dma_wait3A_809 = tpu.memref_slice %arg4[%dma_wait3A_807, %dma_wait3A_808] : memref<392x128xf32, #tpu.memory_space<hbm>> -> memref<392x128xf32, #tpu.memory_space<hbm>>
    tpu.wait_indirect_dma semaphore(%arg21 : memref<!tpu.dma_semaphore, #tpu.memory_space<semaphore_mem>>) src(%dma_wait3A_809 : memref<392x128xf32, #tpu.memory_space<hbm>>) dst(%arg17 : memref<32x128xf32, #tpu.memory_space<vmem>>)
    %dma_wait3A_810 = arith.constant 0 : i32
    %dma_wait3A_811 = arith.constant 0 : i32
    %dma_wait3A_812 = tpu.memref_slice %arg3[%dma_wait3A_810, %dma_wait3A_811] : memref<37632x128xf32, #tpu.memory_space<hbm>> -> memref<37632x128xf32, #tpu.memory_space<hbm>>
    tpu.wait_indirect_dma semaphore(%arg21 : memref<!tpu.dma_semaphore, #tpu.memory_space<semaphore_mem>>) src(%dma_wait3A_812 : memref<37632x128xf32, #tpu.memory_space<hbm>>) dst(%arg15 : memref<32x128xf32, #tpu.memory_space<vmem>>)
    %dma_wait3A_813 = arith.constant 0 : i32
    %dma_wait3A_814 = arith.constant 0 : i32
    %dma_wait3A_815 = tpu.memref_slice %arg4[%dma_wait3A_813, %dma_wait3A_814] : memref<392x128xf32, #tpu.memory_space<hbm>> -> memref<392x128xf32, #tpu.memory_space<hbm>>
    tpu.wait_indirect_dma semaphore(%arg21 : memref<!tpu.dma_semaphore, #tpu.memory_space<semaphore_mem>>) src(%dma_wait3A_815 : memref<392x128xf32, #tpu.memory_space<hbm>>) dst(%arg18 : memref<32x128xf32, #tpu.memory_space<vmem>>)
    %dma_wait3A_816 = arith.constant 0 : i32
    %dma_wait3A_817 = arith.constant 0 : i32
    %dma_wait3A_818 = tpu.memref_slice %arg3[%dma_wait3A_816, %dma_wait3A_817] : memref<37632x128xf32, #tpu.memory_space<hbm>> -> memref<37632x128xf32, #tpu.memory_space<hbm>>
    tpu.wait_indirect_dma semaphore(%arg21 : memref<!tpu.dma_semaphore, #tpu.memory_space<semaphore_mem>>) src(%dma_wait3A_818 : memref<37632x128xf32, #tpu.memory_space<hbm>>) dst(%arg16 : memref<32x128xf32, #tpu.memory_space<vmem>>)
    %dma_wait3A_819 = arith.constant 0 : i32
    %dma_wait3A_820 = arith.constant 0 : i32
    %dma_wait3A_821 = tpu.memref_slice %arg4[%dma_wait3A_819, %dma_wait3A_820] : memref<392x128xf32, #tpu.memory_space<hbm>> -> memref<392x128xf32, #tpu.memory_space<hbm>>
    tpu.wait_indirect_dma semaphore(%arg21 : memref<!tpu.dma_semaphore, #tpu.memory_space<semaphore_mem>>) src(%dma_wait3A_821 : memref<392x128xf32, #tpu.memory_space<hbm>>) dst(%arg19 : memref<32x128xf32, #tpu.memory_space<vmem>>)
    %mul3A_822 = arith.constant 3 : i32
    %mul3A_823 = arith.muli %add3A, %mul3A_822 : i32
    %add3A_824 = arith.constant 0 : i32
    %add3A_825 = arith.addi %mul3A_823, %add3A_824 : i32
    %broadcast_in_dim3A_826 = arith.constant 0.000000e+00 : f32
    %broadcast_in_dim3A_827 = vector.broadcast %broadcast_in_dim3A_826 : f32 to vector<16xf32>
    %scan3A = arith.constant 0 : i32
    %scan3A_828 = arith.constant 32 : i32
    %scan3A_829 = arith.addi %scan3A, %scan3A_828 : i32
    %scan3A_830 = arith.constant 1 : i32
    %scan3A_831:2 = scf.for %scan3A_881 = %scan3A to %scan3A_829 step %scan3A_830 iter_args(%scan3A_882 = %broadcast_in_dim3A_827, %scan3A_883 = %broadcast_in_dim3A_827) -> (vector<16xf32>, vector<16xf32>)  : i32 {
      %add3A_884 = arith.constant 0 : i32
      %add3A_885 = arith.addi %add3A_884, %scan3A_881 : i32
      %get3A_886 = arith.index_cast %add3A_885 : i32 to index
      %get3A_887 = tpu.vector_load %arg13[%get3A_886] {strides = array<i32>} : memref<96xi32, #tpu.memory_space<vmem>>, vector<1xi32>,
      %get3A_888 = vector.shape_cast %get3A_887 : vector<1xi32> to vector<1xi32>
      %squeeze3A = vector.extract %get3A_888[0] : i32 from vector<1xi32>
      %broadcast_in_dim3A_889 = arith.constant 0.000000e+00 : f32
      %broadcast_in_dim3A_890 = vector.broadcast %broadcast_in_dim3A_889 : f32 to vector<16xf32>
      %scan3A_891 = arith.constant 0 : i32
      %scan3A_892 = arith.constant 8 : i32
      %scan3A_893 = arith.addi %scan3A_891, %scan3A_892 : i32
      %scan3A_894 = arith.constant 1 : i32
      %scan3A_895 = scf.for %scan3A_932 = %scan3A_891 to %scan3A_893 step %scan3A_894 iter_args(%scan3A_933 = %broadcast_in_dim3A_890) -> (vector<16xf32>)  : i32 {
        %mul3A_934 = arith.constant 16 : i32
        %mul3A_935 = arith.muli %scan3A_932, %mul3A_934 : i32
        %get3A_936 = arith.index_cast %scan3A_881 : i32 to index
        %get3A_937 = arith.index_cast %mul3A_935 : i32 to index
        %get3A_938 = tpu.vector_load %arg14[%get3A_936, %get3A_937] {strides = array<i32>} : memref<32x128xf32, #tpu.memory_space<vmem>>, vector<1x16xf32>,
        %get3A_939 = vector.shape_cast %get3A_938 : vector<1x16xf32> to vector<16xf32>
        %mul3A_940 = arith.constant 16 : i32
        %mul3A_941 = arith.muli %scan3A_932, %mul3A_940 : i32
        %get3A_942 = arith.index_cast %scan3A_881 : i32 to index
        %get3A_943 = arith.index_cast %mul3A_941 : i32 to index
        %get3A_944 = tpu.vector_load %arg17[%get3A_942, %get3A_943] {strides = array<i32>} : memref<32x128xf32, #tpu.memory_space<vmem>>, vector<1x16xf32>,
        %get3A_945 = vector.shape_cast %get3A_944 : vector<1x16xf32> to vector<16xf32>
        %mul3A_946 = arith.constant 16 : i32
        %mul3A_947 = arith.muli %scan3A_932, %mul3A_946 : i32
        %add3A_948 = vector.broadcast %mul3A_947 : i32 to vector<16xi32>
        %add3A_949 = arith.addi %iota3A, %add3A_948 : vector<16xi32>
        %ge3A_950 = vector.broadcast %squeeze3A : i32 to vector<16xi32>
        %ge3A_951 = arith.cmpi sge, %add3A_949, %ge3A_950 : vector<16xi32>
        %mul3A_952 = arith.mulf %get3A_939, %get3A_945 : vector<16xf32>
        %jit3A_953 = arith.constant 0.000000e+00 : f32
        %broadcast_in_dim3A_954 = vector.broadcast %jit3A_953 : f32 to vector<16xf32>
        %select_n3A_955 = arith.select %ge3A_951, %mul3A_952, %broadcast_in_dim3A_954 : vector<16xi1>, vector<16xf32>
        %add3A_956 = arith.addf %scan3A_933, %select_n3A_955 : vector<16xf32>
        scf.yield %add3A_956 : vector<16xf32>
      }
      %scan3A_896 = arith.constant 8 : i32
      %xor3A_897 = arith.constant 1 : i32
      %xor3A_898 = vector.broadcast %xor3A_897 : i32 to vector<16xi32>
      %xor3A_899 = arith.xori %iota3A, %xor3A_898 : vector<16xi32>
      %broadcast_in_dim3A_900 = vector.shape_cast %xor3A_899 : vector<16xi32> to vector<16x1xi32>
      %gather3A_901 = vector.shape_cast %broadcast_in_dim3A_900 : vector<16x1xi32> to vector<16xi32>
      %gather3A_902 = tpu.dynamic_gather %scan3A_895[%gather3A_901] in [0] : vector<16xf32>, vector<16xi32> -> vector<16xf32>
      %add3A_903 = arith.addf %scan3A_895, %gather3A_902 : vector<16xf32>
      %xor3A_904 = arith.constant 2 : i32
      %xor3A_905 = vector.broadcast %xor3A_904 : i32 to vector<16xi32>
      %xor3A_906 = arith.xori %iota3A, %xor3A_905 : vector<16xi32>
      %broadcast_in_dim3A_907 = vector.shape_cast %xor3A_906 : vector<16xi32> to vector<16x1xi32>
      %gather3A_908 = vector.shape_cast %broadcast_in_dim3A_907 : vector<16x1xi32> to vector<16xi32>
      %gather3A_909 = tpu.dynamic_gather %add3A_903[%gather3A_908] in [0] : vector<16xf32>, vector<16xi32> -> vector<16xf32>
      %add3A_910 = arith.addf %add3A_903, %gather3A_909 : vector<16xf32>
      %xor3A_911 = arith.constant 4 : i32
      %xor3A_912 = vector.broadcast %xor3A_911 : i32 to vector<16xi32>
      %xor3A_913 = arith.xori %iota3A, %xor3A_912 : vector<16xi32>
      %broadcast_in_dim3A_914 = vector.shape_cast %xor3A_913 : vector<16xi32> to vector<16x1xi32>
      %gather3A_915 = vector.shape_cast %broadcast_in_dim3A_914 : vector<16x1xi32> to vector<16xi32>
      %gather3A_916 = tpu.dynamic_gather %add3A_910[%gather3A_915] in [0] : vector<16xf32>, vector<16xi32> -> vector<16xf32>
      %add3A_917 = arith.addf %add3A_910, %gather3A_916 : vector<16xf32>
      %xor3A_918 = arith.constant 8 : i32
      %xor3A_919 = vector.broadcast %xor3A_918 : i32 to vector<16xi32>
      %xor3A_920 = arith.xori %iota3A, %xor3A_919 : vector<16xi32>
      %broadcast_in_dim3A_921 = vector.shape_cast %xor3A_920 : vector<16xi32> to vector<16x1xi32>
      %gather3A_922 = vector.shape_cast %broadcast_in_dim3A_921 : vector<16x1xi32> to vector<16xi32>
      %gather3A_923 = tpu.dynamic_gather %add3A_917[%gather3A_922] in [0] : vector<16xf32>, vector<16xi32> -> vector<16xf32>
      %add3A_924 = arith.addf %add3A_917, %gather3A_923 : vector<16xf32>
      %eq3A = vector.broadcast %scan3A_881 : i32 to vector<16xi32>
      %eq3A_925 = arith.cmpi eq, %iota3A, %eq3A : vector<16xi32>
      %select_n3A_926 = arith.select %eq3A_925, %add3A_924, %scan3A_882 : vector<16xi1>, vector<16xf32>
      %sub3A_927 = arith.constant 16 : i32
      %sub3A_928 = arith.subi %scan3A_881, %sub3A_927 : i32
      %eq3A_929 = vector.broadcast %sub3A_928 : i32 to vector<16xi32>
      %eq3A_930 = arith.cmpi eq, %iota3A, %eq3A_929 : vector<16xi32>
      %select_n3A_931 = arith.select %eq3A_930, %add3A_924, %scan3A_883 : vector<16xi1>, vector<16xf32>
      scf.yield %select_n3A_926, %select_n3A_931 : vector<16xf32>, vector<16xf32>
    }
    %scan3A_832 = arith.constant 32 : i32
    %swap3A_833 = arith.constant 0 : index
    %swap3A_834 = tpu.vector_load %arg20[%swap3A_833] {strides = array<i32>} : memref<32xf32, #tpu.memory_space<vmem>>, vector<16xf32>,
    %swap3A_835 = vector.shape_cast %swap3A_834 : vector<16xf32> to vector<16xf32>
    %swap3A_836 = vector.shape_cast %scan3A_831#0 : vector<16xf32> to vector<16xf32>
    tpu.vector_store %arg20[%swap3A_833], %swap3A_836 {strides = array<i32>} : memref<32xf32, #tpu.memory_space<vmem>>, vector<16xf32>,
    %swap3A_837 = arith.constant 16 : index
    %swap3A_838 = tpu.vector_load %arg20[%swap3A_837] {strides = array<i32>} : memref<32xf32, #tpu.memory_space<vmem>>, vector<16xf32>,
    %swap3A_839 = vector.shape_cast %swap3A_838 : vector<16xf32> to vector<16xf32>
    %swap3A_840 = vector.shape_cast %scan3A_831#1 : vector<16xf32> to vector<16xf32>
    tpu.vector_store %arg20[%swap3A_837], %swap3A_840 {strides = array<i32>} : memref<32xf32, #tpu.memory_space<vmem>>, vector<16xf32>,
    "tpu.region"() ({
      %run_scoped3A = tpu.sem_alloc : memref<!tpu.dma_semaphore, #tpu.memory_space<semaphore_mem>>
      %dma_start3A_881 = arith.constant 0 : i32
      %dma_start3A_882 = tpu.memref_slice %arg5[%add3A_825, %dma_start3A_881] : memref<96x32xf32, #tpu.memory_space<hbm>> -> memref<1x32xf32, #tpu.memory_space<hbm>>
      %dma_start3A_883 = tpu.memref_squeeze %dma_start3A_882 : memref<1x32xf32, #tpu.memory_space<hbm>> -> memref<32xf32, #tpu.memory_space<hbm>>
      %dma_start3A_884 = arith.constant 0 : i32
      %dma_start3A_885 = tpu.memref_slice %arg5[%add3A_825, %dma_start3A_884] : memref<96x32xf32, #tpu.memory_space<hbm>> -> memref<1x32xf32, #tpu.memory_space<hbm>>
      %dma_start3A_886 = tpu.memref_squeeze %dma_start3A_885 : memref<1x32xf32, #tpu.memory_space<hbm>> -> memref<32xf32, #tpu.memory_space<hbm>>
      tpu.enqueue_dma source(%arg20 : memref<32xf32, #tpu.memory_space<vmem>>) target(%dma_start3A_886 : memref<32xf32, #tpu.memory_space<hbm>>) target_semaphore(%run_scoped3A : memref<!tpu.dma_semaphore, #tpu.memory_space<semaphore_mem>>)
      %dma_wait3A_887 = arith.constant 0 : i32
      %dma_wait3A_888 = tpu.memref_slice %arg5[%add3A_825, %dma_wait3A_887] : memref<96x32xf32, #tpu.memory_space<hbm>> -> memref<1x32xf32, #tpu.memory_space<hbm>>
      %dma_wait3A_889 = tpu.memref_squeeze %dma_wait3A_888 : memref<1x32xf32, #tpu.memory_space<hbm>> -> memref<32xf32, #tpu.memory_space<hbm>>
      %dma_wait3A_890 = arith.constant 0 : i32
      %dma_wait3A_891 = tpu.memref_slice %arg5[%add3A_825, %dma_wait3A_890] : memref<96x32xf32, #tpu.memory_space<hbm>> -> memref<1x32xf32, #tpu.memory_space<hbm>>
      %dma_wait3A_892 = tpu.memref_squeeze %dma_wait3A_891 : memref<1x32xf32, #tpu.memory_space<hbm>> -> memref<32xf32, #tpu.memory_space<hbm>>
      tpu.wait_dma2 semaphore(%run_scoped3A : memref<!tpu.dma_semaphore, #tpu.memory_space<semaphore_mem>>) src(%arg20 : memref<32xf32, #tpu.memory_space<vmem>>) dst(%dma_wait3A_892 : memref<32xf32, #tpu.memory_space<hbm>>)
      tpu.yield
    }) : () -> ()
    %mul3A_841 = arith.constant 3 : i32
    %mul3A_842 = arith.muli %add3A, %mul3A_841 : i32
    %add3A_843 = arith.constant 1 : i32
    %add3A_844 = arith.addi %mul3A_842, %add3A_843 : i32
    %broadcast_in_dim3A_845 = arith.constant 0.000000e+00 : f32
    %broadcast_in_dim3A_846 = vector.broadcast %broadcast_in_dim3A_845 : f32 to vector<16xf32>
    %scan3A_847 = arith.constant 0 : i32
    %scan3A_848 = arith.constant 32 : i32
    %scan3A_849 = arith.addi %scan3A_847, %scan3A_848 : i32
    %scan3A_850 = arith.constant 1 : i32
    %scan3A_851:2 = scf.for %scan3A_881 = %scan3A_847 to %scan3A_849 step %scan3A_850 iter_args(%scan3A_882 = %broadcast_in_dim3A_846, %scan3A_883 = %broadcast_in_dim3A_846) -> (vector<16xf32>, vector<16xf32>)  : i32 {
      %add3A_884 = arith.constant 32 : i32
      %add3A_885 = arith.addi %add3A_884, %scan3A_881 : i32
      %get3A_886 = arith.index_cast %add3A_885 : i32 to index
      %get3A_887 = tpu.vector_load %arg13[%get3A_886] {strides = array<i32>} : memref<96xi32, #tpu.memory_space<vmem>>, vector<1xi32>,
      %get3A_888 = vector.shape_cast %get3A_887 : vector<1xi32> to vector<1xi32>
      %squeeze3A = vector.extract %get3A_888[0] : i32 from vector<1xi32>
      %broadcast_in_dim3A_889 = arith.constant 0.000000e+00 : f32
      %broadcast_in_dim3A_890 = vector.broadcast %broadcast_in_dim3A_889 : f32 to vector<16xf32>
      %scan3A_891 = arith.constant 0 : i32
      %scan3A_892 = arith.constant 8 : i32
      %scan3A_893 = arith.addi %scan3A_891, %scan3A_892 : i32
      %scan3A_894 = arith.constant 1 : i32
      %scan3A_895 = scf.for %scan3A_932 = %scan3A_891 to %scan3A_893 step %scan3A_894 iter_args(%scan3A_933 = %broadcast_in_dim3A_890) -> (vector<16xf32>)  : i32 {
        %mul3A_934 = arith.constant 16 : i32
        %mul3A_935 = arith.muli %scan3A_932, %mul3A_934 : i32
        %get3A_936 = arith.index_cast %scan3A_881 : i32 to index
        %get3A_937 = arith.index_cast %mul3A_935 : i32 to index
        %get3A_938 = tpu.vector_load %arg15[%get3A_936, %get3A_937] {strides = array<i32>} : memref<32x128xf32, #tpu.memory_space<vmem>>, vector<1x16xf32>,
        %get3A_939 = vector.shape_cast %get3A_938 : vector<1x16xf32> to vector<16xf32>
        %mul3A_940 = arith.constant 16 : i32
        %mul3A_941 = arith.muli %scan3A_932, %mul3A_940 : i32
        %get3A_942 = arith.index_cast %scan3A_881 : i32 to index
        %get3A_943 = arith.index_cast %mul3A_941 : i32 to index
        %get3A_944 = tpu.vector_load %arg18[%get3A_942, %get3A_943] {strides = array<i32>} : memref<32x128xf32, #tpu.memory_space<vmem>>, vector<1x16xf32>,
        %get3A_945 = vector.shape_cast %get3A_944 : vector<1x16xf32> to vector<16xf32>
        %mul3A_946 = arith.constant 16 : i32
        %mul3A_947 = arith.muli %scan3A_932, %mul3A_946 : i32
        %add3A_948 = vector.broadcast %mul3A_947 : i32 to vector<16xi32>
        %add3A_949 = arith.addi %iota3A, %add3A_948 : vector<16xi32>
        %ge3A_950 = vector.broadcast %squeeze3A : i32 to vector<16xi32>
        %ge3A_951 = arith.cmpi sge, %add3A_949, %ge3A_950 : vector<16xi32>
        %mul3A_952 = arith.mulf %get3A_939, %get3A_945 : vector<16xf32>
        %jit3A_953 = arith.constant 0.000000e+00 : f32
        %broadcast_in_dim3A_954 = vector.broadcast %jit3A_953 : f32 to vector<16xf32>
        %select_n3A_955 = arith.select %ge3A_951, %mul3A_952, %broadcast_in_dim3A_954 : vector<16xi1>, vector<16xf32>
        %add3A_956 = arith.addf %scan3A_933, %select_n3A_955 : vector<16xf32>
        scf.yield %add3A_956 : vector<16xf32>
      }
      %scan3A_896 = arith.constant 8 : i32
      %xor3A_897 = arith.constant 1 : i32
      %xor3A_898 = vector.broadcast %xor3A_897 : i32 to vector<16xi32>
      %xor3A_899 = arith.xori %iota3A, %xor3A_898 : vector<16xi32>
      %broadcast_in_dim3A_900 = vector.shape_cast %xor3A_899 : vector<16xi32> to vector<16x1xi32>
      %gather3A_901 = vector.shape_cast %broadcast_in_dim3A_900 : vector<16x1xi32> to vector<16xi32>
      %gather3A_902 = tpu.dynamic_gather %scan3A_895[%gather3A_901] in [0] : vector<16xf32>, vector<16xi32> -> vector<16xf32>
      %add3A_903 = arith.addf %scan3A_895, %gather3A_902 : vector<16xf32>
      %xor3A_904 = arith.constant 2 : i32
      %xor3A_905 = vector.broadcast %xor3A_904 : i32 to vector<16xi32>
      %xor3A_906 = arith.xori %iota3A, %xor3A_905 : vector<16xi32>
      %broadcast_in_dim3A_907 = vector.shape_cast %xor3A_906 : vector<16xi32> to vector<16x1xi32>
      %gather3A_908 = vector.shape_cast %broadcast_in_dim3A_907 : vector<16x1xi32> to vector<16xi32>
      %gather3A_909 = tpu.dynamic_gather %add3A_903[%gather3A_908] in [0] : vector<16xf32>, vector<16xi32> -> vector<16xf32>
      %add3A_910 = arith.addf %add3A_903, %gather3A_909 : vector<16xf32>
      %xor3A_911 = arith.constant 4 : i32
      %xor3A_912 = vector.broadcast %xor3A_911 : i32 to vector<16xi32>
      %xor3A_913 = arith.xori %iota3A, %xor3A_912 : vector<16xi32>
      %broadcast_in_dim3A_914 = vector.shape_cast %xor3A_913 : vector<16xi32> to vector<16x1xi32>
      %gather3A_915 = vector.shape_cast %broadcast_in_dim3A_914 : vector<16x1xi32> to vector<16xi32>
      %gather3A_916 = tpu.dynamic_gather %add3A_910[%gather3A_915] in [0] : vector<16xf32>, vector<16xi32> -> vector<16xf32>
      %add3A_917 = arith.addf %add3A_910, %gather3A_916 : vector<16xf32>
      %xor3A_918 = arith.constant 8 : i32
      %xor3A_919 = vector.broadcast %xor3A_918 : i32 to vector<16xi32>
      %xor3A_920 = arith.xori %iota3A, %xor3A_919 : vector<16xi32>
      %broadcast_in_dim3A_921 = vector.shape_cast %xor3A_920 : vector<16xi32> to vector<16x1xi32>
      %gather3A_922 = vector.shape_cast %broadcast_in_dim3A_921 : vector<16x1xi32> to vector<16xi32>
      %gather3A_923 = tpu.dynamic_gather %add3A_917[%gather3A_922] in [0] : vector<16xf32>, vector<16xi32> -> vector<16xf32>
      %add3A_924 = arith.addf %add3A_917, %gather3A_923 : vector<16xf32>
      %eq3A = vector.broadcast %scan3A_881 : i32 to vector<16xi32>
      %eq3A_925 = arith.cmpi eq, %iota3A, %eq3A : vector<16xi32>
      %select_n3A_926 = arith.select %eq3A_925, %add3A_924, %scan3A_882 : vector<16xi1>, vector<16xf32>
      %sub3A_927 = arith.constant 16 : i32
      %sub3A_928 = arith.subi %scan3A_881, %sub3A_927 : i32
      %eq3A_929 = vector.broadcast %sub3A_928 : i32 to vector<16xi32>
      %eq3A_930 = arith.cmpi eq, %iota3A, %eq3A_929 : vector<16xi32>
      %select_n3A_931 = arith.select %eq3A_930, %add3A_924, %scan3A_883 : vector<16xi1>, vector<16xf32>
      scf.yield %select_n3A_926, %select_n3A_931 : vector<16xf32>, vector<16xf32>
    }
    %scan3A_852 = arith.constant 32 : i32
    %swap3A_853 = arith.constant 0 : index
    %swap3A_854 = tpu.vector_load %arg20[%swap3A_853] {strides = array<i32>} : memref<32xf32, #tpu.memory_space<vmem>>, vector<16xf32>,
    %swap3A_855 = vector.shape_cast %swap3A_854 : vector<16xf32> to vector<16xf32>
    %swap3A_856 = vector.shape_cast %scan3A_851#0 : vector<16xf32> to vector<16xf32>
    tpu.vector_store %arg20[%swap3A_853], %swap3A_856 {strides = array<i32>} : memref<32xf32, #tpu.memory_space<vmem>>, vector<16xf32>,
    %swap3A_857 = arith.constant 16 : index
    %swap3A_858 = tpu.vector_load %arg20[%swap3A_857] {strides = array<i32>} : memref<32xf32, #tpu.memory_space<vmem>>, vector<16xf32>,
    %swap3A_859 = vector.shape_cast %swap3A_858 : vector<16xf32> to vector<16xf32>
    %swap3A_860 = vector.shape_cast %scan3A_851#1 : vector<16xf32> to vector<16xf32>
    tpu.vector_store %arg20[%swap3A_857], %swap3A_860 {strides = array<i32>} : memref<32xf32, #tpu.memory_space<vmem>>, vector<16xf32>,
    "tpu.region"() ({
      %run_scoped3A = tpu.sem_alloc : memref<!tpu.dma_semaphore, #tpu.memory_space<semaphore_mem>>
      %dma_start3A_881 = arith.constant 0 : i32
      %dma_start3A_882 = tpu.memref_slice %arg5[%add3A_844, %dma_start3A_881] : memref<96x32xf32, #tpu.memory_space<hbm>> -> memref<1x32xf32, #tpu.memory_space<hbm>>
      %dma_start3A_883 = tpu.memref_squeeze %dma_start3A_882 : memref<1x32xf32, #tpu.memory_space<hbm>> -> memref<32xf32, #tpu.memory_space<hbm>>
      %dma_start3A_884 = arith.constant 0 : i32
      %dma_start3A_885 = tpu.memref_slice %arg5[%add3A_844, %dma_start3A_884] : memref<96x32xf32, #tpu.memory_space<hbm>> -> memref<1x32xf32, #tpu.memory_space<hbm>>
      %dma_start3A_886 = tpu.memref_squeeze %dma_start3A_885 : memref<1x32xf32, #tpu.memory_space<hbm>> -> memref<32xf32, #tpu.memory_space<hbm>>
      tpu.enqueue_dma source(%arg20 : memref<32xf32, #tpu.memory_space<vmem>>) target(%dma_start3A_886 : memref<32xf32, #tpu.memory_space<hbm>>) target_semaphore(%run_scoped3A : memref<!tpu.dma_semaphore, #tpu.memory_space<semaphore_mem>>)
      %dma_wait3A_887 = arith.constant 0 : i32
      %dma_wait3A_888 = tpu.memref_slice %arg5[%add3A_844, %dma_wait3A_887] : memref<96x32xf32, #tpu.memory_space<hbm>> -> memref<1x32xf32, #tpu.memory_space<hbm>>
      %dma_wait3A_889 = tpu.memref_squeeze %dma_wait3A_888 : memref<1x32xf32, #tpu.memory_space<hbm>> -> memref<32xf32, #tpu.memory_space<hbm>>
      %dma_wait3A_890 = arith.constant 0 : i32
      %dma_wait3A_891 = tpu.memref_slice %arg5[%add3A_844, %dma_wait3A_890] : memref<96x32xf32, #tpu.memory_space<hbm>> -> memref<1x32xf32, #tpu.memory_space<hbm>>
      %dma_wait3A_892 = tpu.memref_squeeze %dma_wait3A_891 : memref<1x32xf32, #tpu.memory_space<hbm>> -> memref<32xf32, #tpu.memory_space<hbm>>
      tpu.wait_dma2 semaphore(%run_scoped3A : memref<!tpu.dma_semaphore, #tpu.memory_space<semaphore_mem>>) src(%arg20 : memref<32xf32, #tpu.memory_space<vmem>>) dst(%dma_wait3A_892 : memref<32xf32, #tpu.memory_space<hbm>>)
      tpu.yield
    }) : () -> ()
    %mul3A_861 = arith.constant 3 : i32
    %mul3A_862 = arith.muli %add3A, %mul3A_861 : i32
    %add3A_863 = arith.constant 2 : i32
    %add3A_864 = arith.addi %mul3A_862, %add3A_863 : i32
    %broadcast_in_dim3A_865 = arith.constant 0.000000e+00 : f32
    %broadcast_in_dim3A_866 = vector.broadcast %broadcast_in_dim3A_865 : f32 to vector<16xf32>
    %scan3A_867 = arith.constant 0 : i32
    %scan3A_868 = arith.constant 32 : i32
    %scan3A_869 = arith.addi %scan3A_867, %scan3A_868 : i32
    %scan3A_870 = arith.constant 1 : i32
    %scan3A_871:2 = scf.for %scan3A_881 = %scan3A_867 to %scan3A_869 step %scan3A_870 iter_args(%scan3A_882 = %broadcast_in_dim3A_866, %scan3A_883 = %broadcast_in_dim3A_866) -> (vector<16xf32>, vector<16xf32>)  : i32 {
      %add3A_884 = arith.constant 64 : i32
      %add3A_885 = arith.addi %add3A_884, %scan3A_881 : i32
      %get3A_886 = arith.index_cast %add3A_885 : i32 to index
      %get3A_887 = tpu.vector_load %arg13[%get3A_886] {strides = array<i32>} : memref<96xi32, #tpu.memory_space<vmem>>, vector<1xi32>,
      %get3A_888 = vector.shape_cast %get3A_887 : vector<1xi32> to vector<1xi32>
      %squeeze3A = vector.extract %get3A_888[0] : i32 from vector<1xi32>
      %broadcast_in_dim3A_889 = arith.constant 0.000000e+00 : f32
      %broadcast_in_dim3A_890 = vector.broadcast %broadcast_in_dim3A_889 : f32 to vector<16xf32>
      %scan3A_891 = arith.constant 0 : i32
      %scan3A_892 = arith.constant 8 : i32
      %scan3A_893 = arith.addi %scan3A_891, %scan3A_892 : i32
      %scan3A_894 = arith.constant 1 : i32
      %scan3A_895 = scf.for %scan3A_932 = %scan3A_891 to %scan3A_893 step %scan3A_894 iter_args(%scan3A_933 = %broadcast_in_dim3A_890) -> (vector<16xf32>)  : i32 {
        %mul3A_934 = arith.constant 16 : i32
        %mul3A_935 = arith.muli %scan3A_932, %mul3A_934 : i32
        %get3A_936 = arith.index_cast %scan3A_881 : i32 to index
        %get3A_937 = arith.index_cast %mul3A_935 : i32 to index
        %get3A_938 = tpu.vector_load %arg16[%get3A_936, %get3A_937] {strides = array<i32>} : memref<32x128xf32, #tpu.memory_space<vmem>>, vector<1x16xf32>,
        %get3A_939 = vector.shape_cast %get3A_938 : vector<1x16xf32> to vector<16xf32>
        %mul3A_940 = arith.constant 16 : i32
        %mul3A_941 = arith.muli %scan3A_932, %mul3A_940 : i32
        %get3A_942 = arith.index_cast %scan3A_881 : i32 to index
        %get3A_943 = arith.index_cast %mul3A_941 : i32 to index
        %get3A_944 = tpu.vector_load %arg19[%get3A_942, %get3A_943] {strides = array<i32>} : memref<32x128xf32, #tpu.memory_space<vmem>>, vector<1x16xf32>,
        %get3A_945 = vector.shape_cast %get3A_944 : vector<1x16xf32> to vector<16xf32>
        %mul3A_946 = arith.constant 16 : i32
        %mul3A_947 = arith.muli %scan3A_932, %mul3A_946 : i32
        %add3A_948 = vector.broadcast %mul3A_947 : i32 to vector<16xi32>
        %add3A_949 = arith.addi %iota3A, %add3A_948 : vector<16xi32>
        %ge3A_950 = vector.broadcast %squeeze3A : i32 to vector<16xi32>
        %ge3A_951 = arith.cmpi sge, %add3A_949, %ge3A_950 : vector<16xi32>
        %mul3A_952 = arith.mulf %get3A_939, %get3A_945 : vector<16xf32>
        %jit3A_953 = arith.constant 0.000000e+00 : f32
        %broadcast_in_dim3A_954 = vector.broadcast %jit3A_953 : f32 to vector<16xf32>
        %select_n3A_955 = arith.select %ge3A_951, %mul3A_952, %broadcast_in_dim3A_954 : vector<16xi1>, vector<16xf32>
        %add3A_956 = arith.addf %scan3A_933, %select_n3A_955 : vector<16xf32>
        scf.yield %add3A_956 : vector<16xf32>
      }
      %scan3A_896 = arith.constant 8 : i32
      %xor3A_897 = arith.constant 1 : i32
      %xor3A_898 = vector.broadcast %xor3A_897 : i32 to vector<16xi32>
      %xor3A_899 = arith.xori %iota3A, %xor3A_898 : vector<16xi32>
      %broadcast_in_dim3A_900 = vector.shape_cast %xor3A_899 : vector<16xi32> to vector<16x1xi32>
      %gather3A_901 = vector.shape_cast %broadcast_in_dim3A_900 : vector<16x1xi32> to vector<16xi32>
      %gather3A_902 = tpu.dynamic_gather %scan3A_895[%gather3A_901] in [0] : vector<16xf32>, vector<16xi32> -> vector<16xf32>
      %add3A_903 = arith.addf %scan3A_895, %gather3A_902 : vector<16xf32>
      %xor3A_904 = arith.constant 2 : i32
      %xor3A_905 = vector.broadcast %xor3A_904 : i32 to vector<16xi32>
      %xor3A_906 = arith.xori %iota3A, %xor3A_905 : vector<16xi32>
      %broadcast_in_dim3A_907 = vector.shape_cast %xor3A_906 : vector<16xi32> to vector<16x1xi32>
      %gather3A_908 = vector.shape_cast %broadcast_in_dim3A_907 : vector<16x1xi32> to vector<16xi32>
      %gather3A_909 = tpu.dynamic_gather %add3A_903[%gather3A_908] in [0] : vector<16xf32>, vector<16xi32> -> vector<16xf32>
      %add3A_910 = arith.addf %add3A_903, %gather3A_909 : vector<16xf32>
      %xor3A_911 = arith.constant 4 : i32
      %xor3A_912 = vector.broadcast %xor3A_911 : i32 to vector<16xi32>
      %xor3A_913 = arith.xori %iota3A, %xor3A_912 : vector<16xi32>
      %broadcast_in_dim3A_914 = vector.shape_cast %xor3A_913 : vector<16xi32> to vector<16x1xi32>
      %gather3A_915 = vector.shape_cast %broadcast_in_dim3A_914 : vector<16x1xi32> to vector<16xi32>
      %gather3A_916 = tpu.dynamic_gather %add3A_910[%gather3A_915] in [0] : vector<16xf32>, vector<16xi32> -> vector<16xf32>
      %add3A_917 = arith.addf %add3A_910, %gather3A_916 : vector<16xf32>
      %xor3A_918 = arith.constant 8 : i32
      %xor3A_919 = vector.broadcast %xor3A_918 : i32 to vector<16xi32>
      %xor3A_920 = arith.xori %iota3A, %xor3A_919 : vector<16xi32>
      %broadcast_in_dim3A_921 = vector.shape_cast %xor3A_920 : vector<16xi32> to vector<16x1xi32>
      %gather3A_922 = vector.shape_cast %broadcast_in_dim3A_921 : vector<16x1xi32> to vector<16xi32>
      %gather3A_923 = tpu.dynamic_gather %add3A_917[%gather3A_922] in [0] : vector<16xf32>, vector<16xi32> -> vector<16xf32>
      %add3A_924 = arith.addf %add3A_917, %gather3A_923 : vector<16xf32>
      %eq3A = vector.broadcast %scan3A_881 : i32 to vector<16xi32>
      %eq3A_925 = arith.cmpi eq, %iota3A, %eq3A : vector<16xi32>
      %select_n3A_926 = arith.select %eq3A_925, %add3A_924, %scan3A_882 : vector<16xi1>, vector<16xf32>
      %sub3A_927 = arith.constant 16 : i32
      %sub3A_928 = arith.subi %scan3A_881, %sub3A_927 : i32
      %eq3A_929 = vector.broadcast %sub3A_928 : i32 to vector<16xi32>
      %eq3A_930 = arith.cmpi eq, %iota3A, %eq3A_929 : vector<16xi32>
      %select_n3A_931 = arith.select %eq3A_930, %add3A_924, %scan3A_883 : vector<16xi1>, vector<16xf32>
      scf.yield %select_n3A_926, %select_n3A_931 : vector<16xf32>, vector<16xf32>
    }
    %scan3A_872 = arith.constant 32 : i32
    %swap3A_873 = arith.constant 0 : index
    %swap3A_874 = tpu.vector_load %arg20[%swap3A_873] {strides = array<i32>} : memref<32xf32, #tpu.memory_space<vmem>>, vector<16xf32>,
    %swap3A_875 = vector.shape_cast %swap3A_874 : vector<16xf32> to vector<16xf32>
    %swap3A_876 = vector.shape_cast %scan3A_871#0 : vector<16xf32> to vector<16xf32>
    tpu.vector_store %arg20[%swap3A_873], %swap3A_876 {strides = array<i32>} : memref<32xf32, #tpu.memory_space<vmem>>, vector<16xf32>,
    %swap3A_877 = arith.constant 16 : index
    %swap3A_878 = tpu.vector_load %arg20[%swap3A_877] {strides = array<i32>} : memref<32xf32, #tpu.memory_space<vmem>>, vector<16xf32>,
    %swap3A_879 = vector.shape_cast %swap3A_878 : vector<16xf32> to vector<16xf32>
    %swap3A_880 = vector.shape_cast %scan3A_871#1 : vector<16xf32> to vector<16xf32>
    tpu.vector_store %arg20[%swap3A_877], %swap3A_880 {strides = array<i32>} : memref<32xf32, #tpu.memory_space<vmem>>, vector<16xf32>,
    "tpu.region"() ({
      %run_scoped3A = tpu.sem_alloc : memref<!tpu.dma_semaphore, #tpu.memory_space<semaphore_mem>>
      %dma_start3A_881 = arith.constant 0 : i32
      %dma_start3A_882 = tpu.memref_slice %arg5[%add3A_864, %dma_start3A_881] : memref<96x32xf32, #tpu.memory_space<hbm>> -> memref<1x32xf32, #tpu.memory_space<hbm>>
      %dma_start3A_883 = tpu.memref_squeeze %dma_start3A_882 : memref<1x32xf32, #tpu.memory_space<hbm>> -> memref<32xf32, #tpu.memory_space<hbm>>
      %dma_start3A_884 = arith.constant 0 : i32
      %dma_start3A_885 = tpu.memref_slice %arg5[%add3A_864, %dma_start3A_884] : memref<96x32xf32, #tpu.memory_space<hbm>> -> memref<1x32xf32, #tpu.memory_space<hbm>>
      %dma_start3A_886 = tpu.memref_squeeze %dma_start3A_885 : memref<1x32xf32, #tpu.memory_space<hbm>> -> memref<32xf32, #tpu.memory_space<hbm>>
      tpu.enqueue_dma source(%arg20 : memref<32xf32, #tpu.memory_space<vmem>>) target(%dma_start3A_886 : memref<32xf32, #tpu.memory_space<hbm>>) target_semaphore(%run_scoped3A : memref<!tpu.dma_semaphore, #tpu.memory_space<semaphore_mem>>)
      %dma_wait3A_887 = arith.constant 0 : i32
      %dma_wait3A_888 = tpu.memref_slice %arg5[%add3A_864, %dma_wait3A_887] : memref<96x32xf32, #tpu.memory_space<hbm>> -> memref<1x32xf32, #tpu.memory_space<hbm>>
      %dma_wait3A_889 = tpu.memref_squeeze %dma_wait3A_888 : memref<1x32xf32, #tpu.memory_space<hbm>> -> memref<32xf32, #tpu.memory_space<hbm>>
      %dma_wait3A_890 = arith.constant 0 : i32
      %dma_wait3A_891 = tpu.memref_slice %arg5[%add3A_864, %dma_wait3A_890] : memref<96x32xf32, #tpu.memory_space<hbm>> -> memref<1x32xf32, #tpu.memory_space<hbm>>
      %dma_wait3A_892 = tpu.memref_squeeze %dma_wait3A_891 : memref<1x32xf32, #tpu.memory_space<hbm>> -> memref<32xf32, #tpu.memory_space<hbm>>
      tpu.wait_dma2 semaphore(%run_scoped3A : memref<!tpu.dma_semaphore, #tpu.memory_space<semaphore_mem>>) src(%arg20 : memref<32xf32, #tpu.memory_space<vmem>>) dst(%dma_wait3A_892 : memref<32xf32, #tpu.memory_space<hbm>>)
      tpu.yield
    }) : () -> ()
    return
  }
}

module attributes {stable_mosaic.version = 14 : i64} {
  func.func @_stream_kernel(%arg0: i32, %arg1: memref<8x392x128xf32, #tpu.memory_space<vmem>>, %arg2: memref<1x392x128xf32, #tpu.memory_space<vmem>>, %arg3: memref<8x32xf32, #tpu.memory_space<vmem>>, %arg4: memref<96x32xf32, #tpu.memory_space<vmem>>, %arg5: memref<1x1xf32, #tpu.memory_space<vmem>>, %arg6: memref<8x32xf32, #tpu.memory_space<vmem>>, %arg7: memref<8xf32, #tpu.memory_space<smem>>) attributes {dimension_semantics = [#tpu.dimension_semantics<arbitrary>], iteration_bounds = array<i64: 12>, scalar_prefetch = 0 : i64, scratch_operands = 2 : i64, tpu.core_type = #tpu.core_type<tc>, window_params = [{transform_indices = @transform_0, window_bounds = array<i64: 8, 392, 128>}, {pipeline_mode = #tpu.pipeline_mode<synchronous>, transform_indices = @transform_1, window_bounds = array<i64: 1, 392, 128>}, {transform_indices = @transform_2, window_bounds = array<i64: 8, 32>}, {pipeline_mode = #tpu.pipeline_mode<synchronous>, transform_indices = @transform_3, window_bounds = array<i64: 96, 32>}, {pipeline_mode = #tpu.pipeline_mode<synchronous>, transform_indices = @transform_4, window_bounds = array<i64: 1, 1>}]} {
    %get3A = arith.constant 0 : index
    %get3A_0 = arith.constant 0 : index
    %get3A_1 = vector.load %arg3[%get3A, %get3A_0] : memref<8x32xf32, #tpu.memory_space<vmem>>, vector<8x32xf32>
    %reduce_sum3A = arith.constant dense<0.000000e+00> : vector<8xf32>
    %reduce_sum3A_2 = vector.multi_reduction <add>, %get3A_1, %reduce_sum3A [1] : vector<8x32xf32> to vector<8xf32>
    %broadcast_in_dim3A = vector.shape_cast %reduce_sum3A_2 : vector<8xf32> to vector<8x1xf32>
    %div3A = arith.constant 5.017600e+04 : f32
    %div3A_3 = vector.broadcast %div3A : f32 to vector<8x1xf32>
    %div3A_4 = arith.divf %div3A_3, %broadcast_in_dim3A : vector<8x1xf32>
    %mul3A = vector.broadcast %div3A_4 : vector<8x1xf32> to vector<8x32xf32>
    %mul3A_5 = arith.mulf %get3A_1, %mul3A : vector<8x32xf32>
    %iota3A = tpu.iota {dimensions = array<i32: 0>} : vector<32x32xi32>
    %iota3A_6 = tpu.iota {dimensions = array<i32: 1>} : vector<32x32xi32>
    %le3A = arith.cmpi sle, %iota3A, %iota3A_6 : vector<32x32xi32>
    %jit3A = arith.constant 1.000000e+00 : f32
    %jit3A_7 = arith.constant 0.000000e+00 : f32
    %broadcast_in_dim3A_8 = vector.broadcast %jit3A : f32 to vector<32x32xf32>
    %broadcast_in_dim3A_9 = vector.broadcast %jit3A_7 : f32 to vector<32x32xf32>
    %select_n3A = arith.select %le3A, %broadcast_in_dim3A_8, %broadcast_in_dim3A_9 : vector<32x32xi1>, vector<32x32xf32>
    %dot_general3A = arith.constant dense<0.000000e+00> : vector<8x32xf32>
    %dot_general3A_10 = tpu.matmul %mul3A_5, %select_n3A, %dot_general3A {dimension_numbers = #tpu.dot_dimension_numbers<[1], [0], [0], [1], [0, 0, 1, 1], [], []>, transpose_lhs_hint = false} : vector<8x32xf32>, vector<32x32xf32>, vector<8x32xf32> -> vector<8x32xf32>
    %floor3A = math.floor %dot_general3A_10 : vector<8x32xf32>
    %jit3A_11 = arith.constant 0.000000e+00 : f32
    %jit3A_12 = arith.constant 5.017600e+04 : f32
    %max3A = vector.broadcast %jit3A_11 : f32 to vector<8x32xf32>
    %max3A_13 = arith.maximumf %max3A, %floor3A : vector<8x32xf32>
    %min3A = vector.broadcast %jit3A_12 : f32 to vector<8x32xf32>
    %min3A_14 = arith.minimumf %min3A, %max3A_13 : vector<8x32xf32>
    %convert_element_type3A = arith.fptosi %min3A_14 : vector<8x32xf32> to vector<8x32xi32>
    %jit3A_15 = arith.constant 128 : i32
    %div3A_16 = vector.broadcast %jit3A_15 : i32 to vector<8x32xi32>
    %div3A_17 = arith.divsi %convert_element_type3A, %div3A_16 : vector<8x32xi32>
    %sign3A = arith.constant 0 : i32
    %sign3A_18 = vector.broadcast %sign3A : i32 to vector<8x32xi32>
    %sign3A_19 = arith.cmpi sgt, %convert_element_type3A, %sign3A_18 : vector<8x32xi32>
    %sign3A_20 = arith.extui %sign3A_19 : vector<8x32xi1> to vector<8x32xi32>
    %sign3A_21 = arith.constant 0 : i32
    %sign3A_22 = vector.broadcast %sign3A_21 : i32 to vector<8x32xi32>
    %sign3A_23 = arith.cmpi slt, %convert_element_type3A, %sign3A_22 : vector<8x32xi32>
    %sign3A_24 = arith.extui %sign3A_23 : vector<8x32xi1> to vector<8x32xi32>
    %sign3A_25 = arith.subi %sign3A_20, %sign3A_24 : vector<8x32xi32>
    %sign3A_26 = arith.constant 0 : i32
    %sign3A_27 = arith.cmpi sgt, %jit3A_15, %sign3A_26 : i32
    %sign3A_28 = arith.extui %sign3A_27 : i1 to i32
    %sign3A_29 = arith.constant 0 : i32
    %sign3A_30 = arith.cmpi slt, %jit3A_15, %sign3A_29 : i32
    %sign3A_31 = arith.extui %sign3A_30 : i1 to i32
    %sign3A_32 = arith.subi %sign3A_28, %sign3A_31 : i32
    %ne3A = vector.broadcast %sign3A_32 : i32 to vector<8x32xi32>
    %ne3A_33 = arith.cmpi ne, %sign3A_25, %ne3A : vector<8x32xi32>
    %rem3A = vector.broadcast %jit3A_15 : i32 to vector<8x32xi32>
    %rem3A_34 = arith.remsi %convert_element_type3A, %rem3A : vector<8x32xi32>
    %ne3A_35 = arith.constant 0 : i32
    %ne3A_36 = vector.broadcast %ne3A_35 : i32 to vector<8x32xi32>
    %ne3A_37 = arith.cmpi ne, %rem3A_34, %ne3A_36 : vector<8x32xi32>
    %and3A = arith.andi %ne3A_33, %ne3A_37 : vector<8x32xi1>
    %sub3A = arith.constant 1 : i32
    %sub3A_38 = vector.broadcast %sub3A : i32 to vector<8x32xi32>
    %sub3A_39 = arith.subi %div3A_17, %sub3A_38 : vector<8x32xi32>
    %select_n3A_40 = arith.select %and3A, %sub3A_39, %div3A_17 : vector<8x32xi1>, vector<8x32xi32>
    %min3A_41 = arith.constant 391 : i32
    %min3A_42 = vector.broadcast %min3A_41 : i32 to vector<8x32xi32>
    %min3A_43 = arith.minsi %select_n3A_40, %min3A_42 : vector<8x32xi32>
    %sub3A_44 = arith.constant 5.017600e+04 : f32
    %sub3A_45 = vector.broadcast %sub3A_44 : f32 to vector<8x32xf32>
    %sub3A_46 = arith.subf %sub3A_45, %min3A_14 : vector<8x32xf32>
    %reduce_sum3A_47 = arith.constant dense<0.000000e+00> : vector<32xf32>
    %reduce_sum3A_48 = vector.multi_reduction <add>, %sub3A_46, %reduce_sum3A_47 [0] : vector<8x32xf32> to vector<32xf32>
    %broadcast_in_dim3A_49 = vector.shape_cast %reduce_sum3A_48 : vector<32xf32> to vector<1x32xf32>
    %get3A_50 = arith.constant 0 : index
    %get3A_51 = arith.constant 0 : index
    %get3A_52 = arith.constant 0 : index
    %get3A_53 = vector.load %arg1[%get3A_50, %get3A_51, %get3A_52] : memref<8x392x128xf32, #tpu.memory_space<vmem>>, vector<8x392x128xf32>
    %get3A_54 = arith.constant 0 : index
    %get3A_55 = arith.constant 0 : index
    %get3A_56 = arith.constant 0 : index
    %get3A_57 = vector.load %arg2[%get3A_54, %get3A_55, %get3A_56] : memref<1x392x128xf32, #tpu.memory_space<vmem>>, vector<1x392x128xf32>
    %mul3A_58 = vector.broadcast %get3A_57 : vector<1x392x128xf32> to vector<8x392x128xf32>
    %mul3A_59 = arith.mulf %get3A_53, %mul3A_58 : vector<8x392x128xf32>
    %reshape3A = vector.shape_cast %mul3A_59 : vector<8x392x128xf32> to vector<3136x128xf32>
    %broadcast_in_dim3A_60 = arith.constant 1.000000e+00 : f32
    %broadcast_in_dim3A_61 = vector.broadcast %broadcast_in_dim3A_60 : f32 to vector<128x1xf32>
    %dot_general3A_62 = arith.constant dense<0.000000e+00> : vector<3136x1xf32>
    %dot_general3A_63 = tpu.matmul %reshape3A, %broadcast_in_dim3A_61, %dot_general3A_62 {dimension_numbers = #tpu.dot_dimension_numbers<[1], [0], [0], [1], [0, 0, 1, 1], [], []>, transpose_lhs_hint = false} : vector<3136x128xf32>, vector<128x1xf32>, vector<3136x1xf32> -> vector<3136x1xf32>
    %mul3A_64 = arith.mulf %reshape3A, %reshape3A : vector<3136x128xf32>
    %dot_general3A_65 = arith.constant dense<0.000000e+00> : vector<3136x1xf32>
    %dot_general3A_66 = tpu.matmul %mul3A_64, %broadcast_in_dim3A_61, %dot_general3A_65 {dimension_numbers = #tpu.dot_dimension_numbers<[1], [0], [0], [1], [0, 0, 1, 1], [], []>, transpose_lhs_hint = false} : vector<3136x128xf32>, vector<128x1xf32>, vector<3136x1xf32> -> vector<3136x1xf32>
    %reduce_sum3A_67 = vector.shape_cast %dot_general3A_66 : vector<3136x1xf32> to vector<1x3136x1xf32>
    %reduce_sum3A_68 = arith.constant dense<0.000000e+00> : vector<1xf32>
    %reduce_sum3A_69 = vector.multi_reduction <add>, %reduce_sum3A_67, %reduce_sum3A_68 [1, 2] : vector<1x3136x1xf32> to vector<1xf32>
    %reduce_sum3A_70 = vector.shape_cast %reduce_sum3A_69 : vector<1xf32> to vector<1x1x1xf32>
    %reduce_sum3A_71 = vector.extract %reduce_sum3A_70[0, 0, 0] : f32 from vector<1x1x1xf32>
    %reduce_sum3A_72 = vector.shape_cast %dot_general3A_63 : vector<3136x1xf32> to vector<1x3136x1xf32>
    %reduce_sum3A_73 = arith.constant dense<0.000000e+00> : vector<1xf32>
    %reduce_sum3A_74 = vector.multi_reduction <add>, %reduce_sum3A_72, %reduce_sum3A_73 [1, 2] : vector<1x3136x1xf32> to vector<1xf32>
    %reduce_sum3A_75 = vector.shape_cast %reduce_sum3A_74 : vector<1xf32> to vector<1x1x1xf32>
    %reduce_sum3A_76 = vector.extract %reduce_sum3A_75[0, 0, 0] : f32 from vector<1x1x1xf32>
    %iota3A_77 = tpu.iota {dimensions = array<i32: 0>} : vector<392x1xi32>
    %broadcast_in_dim3A_78 = arith.constant 0.000000e+00 : f32
    %broadcast_in_dim3A_79 = vector.broadcast %broadcast_in_dim3A_78 : f32 to vector<1x32xf32>
    %slice3A = vector.extract_strided_slice %dot_general3A_63 {offsets = [0, 0], sizes = [392, 1], strides = [1, 1]} : vector<3136x1xf32> to vector<392x1xf32>
    %slice3A_80 = vector.extract_strided_slice %min3A_43 {offsets = [0, 0], sizes = [1, 32], strides = [1, 1]} : vector<8x32xi32> to vector<1x32xi32>
    %gt3A = vector.broadcast %iota3A_77 : vector<392x1xi32> to vector<392x32xi32>
    %gt3A_81 = vector.broadcast %slice3A_80 : vector<1x32xi32> to vector<392x32xi32>
    %gt3A_82 = arith.cmpi sgt, %gt3A, %gt3A_81 : vector<392x32xi32>
    %jit3A_83 = arith.constant 1.000000e+00 : f32
    %jit3A_84 = arith.constant 0.000000e+00 : f32
    %broadcast_in_dim3A_85 = vector.broadcast %jit3A_83 : f32 to vector<392x32xf32>
    %broadcast_in_dim3A_86 = vector.broadcast %jit3A_84 : f32 to vector<392x32xf32>
    %select_n3A_87 = arith.select %gt3A_82, %broadcast_in_dim3A_85, %broadcast_in_dim3A_86 : vector<392x32xi1>, vector<392x32xf32>
    %dot_general3A_88 = arith.constant dense<0.000000e+00> : vector<1x32xf32>
    %dot_general3A_89 = tpu.matmul %slice3A, %select_n3A_87, %dot_general3A_88 {dimension_numbers = #tpu.dot_dimension_numbers<[0], [0], [1], [1], [0, 1, 1, 1], [], []>, transpose_lhs_hint = false} : vector<392x1xf32>, vector<392x32xf32>, vector<1x32xf32> -> vector<1x32xf32>
    %add3A = arith.addf %broadcast_in_dim3A_79, %dot_general3A_89 : vector<1x32xf32>
    %slice3A_90 = vector.extract_strided_slice %dot_general3A_63 {offsets = [392, 0], sizes = [392, 1], strides = [1, 1]} : vector<3136x1xf32> to vector<392x1xf32>
    %slice3A_91 = vector.extract_strided_slice %min3A_43 {offsets = [1, 0], sizes = [1, 32], strides = [1, 1]} : vector<8x32xi32> to vector<1x32xi32>
    %gt3A_92 = vector.broadcast %iota3A_77 : vector<392x1xi32> to vector<392x32xi32>
    %gt3A_93 = vector.broadcast %slice3A_91 : vector<1x32xi32> to vector<392x32xi32>
    %gt3A_94 = arith.cmpi sgt, %gt3A_92, %gt3A_93 : vector<392x32xi32>
    %jit3A_95 = arith.constant 1.000000e+00 : f32
    %jit3A_96 = arith.constant 0.000000e+00 : f32
    %broadcast_in_dim3A_97 = vector.broadcast %jit3A_95 : f32 to vector<392x32xf32>
    %broadcast_in_dim3A_98 = vector.broadcast %jit3A_96 : f32 to vector<392x32xf32>
    %select_n3A_99 = arith.select %gt3A_94, %broadcast_in_dim3A_97, %broadcast_in_dim3A_98 : vector<392x32xi1>, vector<392x32xf32>
    %dot_general3A_100 = arith.constant dense<0.000000e+00> : vector<1x32xf32>
    %dot_general3A_101 = tpu.matmul %slice3A_90, %select_n3A_99, %dot_general3A_100 {dimension_numbers = #tpu.dot_dimension_numbers<[0], [0], [1], [1], [0, 1, 1, 1], [], []>, transpose_lhs_hint = false} : vector<392x1xf32>, vector<392x32xf32>, vector<1x32xf32> -> vector<1x32xf32>
    %add3A_102 = arith.addf %add3A, %dot_general3A_101 : vector<1x32xf32>
    %slice3A_103 = vector.extract_strided_slice %dot_general3A_63 {offsets = [784, 0], sizes = [392, 1], strides = [1, 1]} : vector<3136x1xf32> to vector<392x1xf32>
    %slice3A_104 = vector.extract_strided_slice %min3A_43 {offsets = [2, 0], sizes = [1, 32], strides = [1, 1]} : vector<8x32xi32> to vector<1x32xi32>
    %gt3A_105 = vector.broadcast %iota3A_77 : vector<392x1xi32> to vector<392x32xi32>
    %gt3A_106 = vector.broadcast %slice3A_104 : vector<1x32xi32> to vector<392x32xi32>
    %gt3A_107 = arith.cmpi sgt, %gt3A_105, %gt3A_106 : vector<392x32xi32>
    %jit3A_108 = arith.constant 1.000000e+00 : f32
    %jit3A_109 = arith.constant 0.000000e+00 : f32
    %broadcast_in_dim3A_110 = vector.broadcast %jit3A_108 : f32 to vector<392x32xf32>
    %broadcast_in_dim3A_111 = vector.broadcast %jit3A_109 : f32 to vector<392x32xf32>
    %select_n3A_112 = arith.select %gt3A_107, %broadcast_in_dim3A_110, %broadcast_in_dim3A_111 : vector<392x32xi1>, vector<392x32xf32>
    %dot_general3A_113 = arith.constant dense<0.000000e+00> : vector<1x32xf32>
    %dot_general3A_114 = tpu.matmul %slice3A_103, %select_n3A_112, %dot_general3A_113 {dimension_numbers = #tpu.dot_dimension_numbers<[0], [0], [1], [1], [0, 1, 1, 1], [], []>, transpose_lhs_hint = false} : vector<392x1xf32>, vector<392x32xf32>, vector<1x32xf32> -> vector<1x32xf32>
    %add3A_115 = arith.addf %add3A_102, %dot_general3A_114 : vector<1x32xf32>
    %slice3A_116 = vector.extract_strided_slice %dot_general3A_63 {offsets = [1176, 0], sizes = [392, 1], strides = [1, 1]} : vector<3136x1xf32> to vector<392x1xf32>
    %slice3A_117 = vector.extract_strided_slice %min3A_43 {offsets = [3, 0], sizes = [1, 32], strides = [1, 1]} : vector<8x32xi32> to vector<1x32xi32>
    %gt3A_118 = vector.broadcast %iota3A_77 : vector<392x1xi32> to vector<392x32xi32>
    %gt3A_119 = vector.broadcast %slice3A_117 : vector<1x32xi32> to vector<392x32xi32>
    %gt3A_120 = arith.cmpi sgt, %gt3A_118, %gt3A_119 : vector<392x32xi32>
    %jit3A_121 = arith.constant 1.000000e+00 : f32
    %jit3A_122 = arith.constant 0.000000e+00 : f32
    %broadcast_in_dim3A_123 = vector.broadcast %jit3A_121 : f32 to vector<392x32xf32>
    %broadcast_in_dim3A_124 = vector.broadcast %jit3A_122 : f32 to vector<392x32xf32>
    %select_n3A_125 = arith.select %gt3A_120, %broadcast_in_dim3A_123, %broadcast_in_dim3A_124 : vector<392x32xi1>, vector<392x32xf32>
    %dot_general3A_126 = arith.constant dense<0.000000e+00> : vector<1x32xf32>
    %dot_general3A_127 = tpu.matmul %slice3A_116, %select_n3A_125, %dot_general3A_126 {dimension_numbers = #tpu.dot_dimension_numbers<[0], [0], [1], [1], [0, 1, 1, 1], [], []>, transpose_lhs_hint = false} : vector<392x1xf32>, vector<392x32xf32>, vector<1x32xf32> -> vector<1x32xf32>
    %add3A_128 = arith.addf %add3A_115, %dot_general3A_127 : vector<1x32xf32>
    %slice3A_129 = vector.extract_strided_slice %dot_general3A_63 {offsets = [1568, 0], sizes = [392, 1], strides = [1, 1]} : vector<3136x1xf32> to vector<392x1xf32>
    %slice3A_130 = vector.extract_strided_slice %min3A_43 {offsets = [4, 0], sizes = [1, 32], strides = [1, 1]} : vector<8x32xi32> to vector<1x32xi32>
    %gt3A_131 = vector.broadcast %iota3A_77 : vector<392x1xi32> to vector<392x32xi32>
    %gt3A_132 = vector.broadcast %slice3A_130 : vector<1x32xi32> to vector<392x32xi32>
    %gt3A_133 = arith.cmpi sgt, %gt3A_131, %gt3A_132 : vector<392x32xi32>
    %jit3A_134 = arith.constant 1.000000e+00 : f32
    %jit3A_135 = arith.constant 0.000000e+00 : f32
    %broadcast_in_dim3A_136 = vector.broadcast %jit3A_134 : f32 to vector<392x32xf32>
    %broadcast_in_dim3A_137 = vector.broadcast %jit3A_135 : f32 to vector<392x32xf32>
    %select_n3A_138 = arith.select %gt3A_133, %broadcast_in_dim3A_136, %broadcast_in_dim3A_137 : vector<392x32xi1>, vector<392x32xf32>
    %dot_general3A_139 = arith.constant dense<0.000000e+00> : vector<1x32xf32>
    %dot_general3A_140 = tpu.matmul %slice3A_129, %select_n3A_138, %dot_general3A_139 {dimension_numbers = #tpu.dot_dimension_numbers<[0], [0], [1], [1], [0, 1, 1, 1], [], []>, transpose_lhs_hint = false} : vector<392x1xf32>, vector<392x32xf32>, vector<1x32xf32> -> vector<1x32xf32>
    %add3A_141 = arith.addf %add3A_128, %dot_general3A_140 : vector<1x32xf32>
    %slice3A_142 = vector.extract_strided_slice %dot_general3A_63 {offsets = [1960, 0], sizes = [392, 1], strides = [1, 1]} : vector<3136x1xf32> to vector<392x1xf32>
    %slice3A_143 = vector.extract_strided_slice %min3A_43 {offsets = [5, 0], sizes = [1, 32], strides = [1, 1]} : vector<8x32xi32> to vector<1x32xi32>
    %gt3A_144 = vector.broadcast %iota3A_77 : vector<392x1xi32> to vector<392x32xi32>
    %gt3A_145 = vector.broadcast %slice3A_143 : vector<1x32xi32> to vector<392x32xi32>
    %gt3A_146 = arith.cmpi sgt, %gt3A_144, %gt3A_145 : vector<392x32xi32>
    %jit3A_147 = arith.constant 1.000000e+00 : f32
    %jit3A_148 = arith.constant 0.000000e+00 : f32
    %broadcast_in_dim3A_149 = vector.broadcast %jit3A_147 : f32 to vector<392x32xf32>
    %broadcast_in_dim3A_150 = vector.broadcast %jit3A_148 : f32 to vector<392x32xf32>
    %select_n3A_151 = arith.select %gt3A_146, %broadcast_in_dim3A_149, %broadcast_in_dim3A_150 : vector<392x32xi1>, vector<392x32xf32>
    %dot_general3A_152 = arith.constant dense<0.000000e+00> : vector<1x32xf32>
    %dot_general3A_153 = tpu.matmul %slice3A_142, %select_n3A_151, %dot_general3A_152 {dimension_numbers = #tpu.dot_dimension_numbers<[0], [0], [1], [1], [0, 1, 1, 1], [], []>, transpose_lhs_hint = false} : vector<392x1xf32>, vector<392x32xf32>, vector<1x32xf32> -> vector<1x32xf32>
    %add3A_154 = arith.addf %add3A_141, %dot_general3A_153 : vector<1x32xf32>
    %slice3A_155 = vector.extract_strided_slice %dot_general3A_63 {offsets = [2352, 0], sizes = [392, 1], strides = [1, 1]} : vector<3136x1xf32> to vector<392x1xf32>
    %slice3A_156 = vector.extract_strided_slice %min3A_43 {offsets = [6, 0], sizes = [1, 32], strides = [1, 1]} : vector<8x32xi32> to vector<1x32xi32>
    %gt3A_157 = vector.broadcast %iota3A_77 : vector<392x1xi32> to vector<392x32xi32>
    %gt3A_158 = vector.broadcast %slice3A_156 : vector<1x32xi32> to vector<392x32xi32>
    %gt3A_159 = arith.cmpi sgt, %gt3A_157, %gt3A_158 : vector<392x32xi32>
    %jit3A_160 = arith.constant 1.000000e+00 : f32
    %jit3A_161 = arith.constant 0.000000e+00 : f32
    %broadcast_in_dim3A_162 = vector.broadcast %jit3A_160 : f32 to vector<392x32xf32>
    %broadcast_in_dim3A_163 = vector.broadcast %jit3A_161 : f32 to vector<392x32xf32>
    %select_n3A_164 = arith.select %gt3A_159, %broadcast_in_dim3A_162, %broadcast_in_dim3A_163 : vector<392x32xi1>, vector<392x32xf32>
    %dot_general3A_165 = arith.constant dense<0.000000e+00> : vector<1x32xf32>
    %dot_general3A_166 = tpu.matmul %slice3A_155, %select_n3A_164, %dot_general3A_165 {dimension_numbers = #tpu.dot_dimension_numbers<[0], [0], [1], [1], [0, 1, 1, 1], [], []>, transpose_lhs_hint = false} : vector<392x1xf32>, vector<392x32xf32>, vector<1x32xf32> -> vector<1x32xf32>
    %add3A_167 = arith.addf %add3A_154, %dot_general3A_166 : vector<1x32xf32>
    %slice3A_168 = vector.extract_strided_slice %dot_general3A_63 {offsets = [2744, 0], sizes = [392, 1], strides = [1, 1]} : vector<3136x1xf32> to vector<392x1xf32>
    %slice3A_169 = vector.extract_strided_slice %min3A_43 {offsets = [7, 0], sizes = [1, 32], strides = [1, 1]} : vector<8x32xi32> to vector<1x32xi32>
    %gt3A_170 = vector.broadcast %iota3A_77 : vector<392x1xi32> to vector<392x32xi32>
    %gt3A_171 = vector.broadcast %slice3A_169 : vector<1x32xi32> to vector<392x32xi32>
    %gt3A_172 = arith.cmpi sgt, %gt3A_170, %gt3A_171 : vector<392x32xi32>
    %jit3A_173 = arith.constant 1.000000e+00 : f32
    %jit3A_174 = arith.constant 0.000000e+00 : f32
    %broadcast_in_dim3A_175 = vector.broadcast %jit3A_173 : f32 to vector<392x32xf32>
    %broadcast_in_dim3A_176 = vector.broadcast %jit3A_174 : f32 to vector<392x32xf32>
    %select_n3A_177 = arith.select %gt3A_172, %broadcast_in_dim3A_175, %broadcast_in_dim3A_176 : vector<392x32xi1>, vector<392x32xf32>
    %dot_general3A_178 = arith.constant dense<0.000000e+00> : vector<1x32xf32>
    %dot_general3A_179 = tpu.matmul %slice3A_168, %select_n3A_177, %dot_general3A_178 {dimension_numbers = #tpu.dot_dimension_numbers<[0], [0], [1], [1], [0, 1, 1, 1], [], []>, transpose_lhs_hint = false} : vector<392x1xf32>, vector<392x32xf32>, vector<1x32xf32> -> vector<1x32xf32>
    %add3A_180 = arith.addf %add3A_167, %dot_general3A_179 : vector<1x32xf32>
    %eq3A = arith.constant 0 : i32
    %eq3A_181 = arith.cmpi eq, %arg0, %eq3A : i32
    %convert_element_type3A_182 = arith.extui %eq3A_181 : i1 to i32
    %cond3A = arith.constant 0 : i32
    %cond3A_183 = arith.cmpi ne, %convert_element_type3A_182, %cond3A : i32
    scf.if %cond3A_183 {
      %swap3A = arith.constant 0 : index
      %swap3A_194 = arith.constant 0 : index
      %swap3A_195 = vector.load %arg6[%swap3A, %swap3A_194] : memref<8x32xf32, #tpu.memory_space<vmem>>, vector<1x32xf32>
      tpu.vector_store %arg6[%swap3A, %swap3A_194], %add3A_180 {strides = array<i32>} : memref<8x32xf32, #tpu.memory_space<vmem>>, vector<1x32xf32>,
      %swap3A_196 = arith.constant 1 : index
      %swap3A_197 = arith.constant 0 : index
      %swap3A_198 = vector.load %arg6[%swap3A_196, %swap3A_197] : memref<8x32xf32, #tpu.memory_space<vmem>>, vector<1x32xf32>
      tpu.vector_store %arg6[%swap3A_196, %swap3A_197], %broadcast_in_dim3A_49 {strides = array<i32>} : memref<8x32xf32, #tpu.memory_space<vmem>>, vector<1x32xf32>,
      %slice3A_199 = vector.extract_strided_slice %dot_general3A_10 {offsets = [0, 0], sizes = [1, 32], strides = [1, 1]} : vector<8x32xf32> to vector<1x32xf32>
      %swap3A_200 = arith.constant 2 : index
      %swap3A_201 = arith.constant 0 : index
      %swap3A_202 = vector.load %arg6[%swap3A_200, %swap3A_201] : memref<8x32xf32, #tpu.memory_space<vmem>>, vector<1x32xf32>
      tpu.vector_store %arg6[%swap3A_200, %swap3A_201], %slice3A_199 {strides = array<i32>} : memref<8x32xf32, #tpu.memory_space<vmem>>, vector<1x32xf32>,
      %swap3A_203 = arith.constant 0 : index
      %swap3A_204 = memref.load %arg7[%swap3A_203] : memref<8xf32, #tpu.memory_space<smem>>
      memref.store %reduce_sum3A_71, %arg7[%swap3A_203] : memref<8xf32, #tpu.memory_space<smem>>
      %get3A_205 = arith.constant 0 : index
      %get3A_206 = arith.constant 0 : index
      %get3A_207 = arith.constant 0 : index
      %get3A_208 = vector.load %arg2[%get3A_205, %get3A_206, %get3A_207] : memref<1x392x128xf32, #tpu.memory_space<vmem>>, vector<1x392x128xf32>
      %reduce_sum3A_209 = vector.shape_cast %get3A_208 : vector<1x392x128xf32> to vector<1x1x392x128xf32>
      %reduce_sum3A_210 = arith.constant dense<0.000000e+00> : vector<1xf32>
      %reduce_sum3A_211 = vector.multi_reduction <add>, %reduce_sum3A_209, %reduce_sum3A_210 [1, 2, 3] : vector<1x1x392x128xf32> to vector<1xf32>
      %reduce_sum3A_212 = vector.shape_cast %reduce_sum3A_211 : vector<1xf32> to vector<1x1x1x1xf32>
      %reduce_sum3A_213 = vector.extract %reduce_sum3A_212[0, 0, 0, 0] : f32 from vector<1x1x1x1xf32>
      %swap3A_214 = arith.constant 1 : index
      %swap3A_215 = memref.load %arg7[%swap3A_214] : memref<8xf32, #tpu.memory_space<smem>>
      memref.store %reduce_sum3A_213, %arg7[%swap3A_214] : memref<8xf32, #tpu.memory_space<smem>>
      %slice3A_216 = vector.extract_strided_slice %mul3A_59 {offsets = [0, 0, 0], sizes = [1, 392, 128], strides = [1, 1, 1]} : vector<8x392x128xf32> to vector<1x392x128xf32>
      %squeeze3A = vector.shape_cast %slice3A_216 : vector<1x392x128xf32> to vector<392x128xf32>
      %reduce_min3A = vector.shape_cast %squeeze3A : vector<392x128xf32> to vector<1x392x128xf32>
      %reduce_min3A_217 = arith.constant dense<0x7F800000> : vector<1xf32>
      %reduce_min3A_218 = vector.multi_reduction <minimumf>, %reduce_min3A, %reduce_min3A_217 [1, 2] : vector<1x392x128xf32> to vector<1xf32>
      %reduce_min3A_219 = vector.shape_cast %reduce_min3A_218 : vector<1xf32> to vector<1x1x1xf32>
      %reduce_min3A_220 = vector.extract %reduce_min3A_219[0, 0, 0] : f32 from vector<1x1x1xf32>
      %swap3A_221 = arith.constant 2 : index
      %swap3A_222 = memref.load %arg7[%swap3A_221] : memref<8xf32, #tpu.memory_space<smem>>
      memref.store %reduce_min3A_220, %arg7[%swap3A_221] : memref<8xf32, #tpu.memory_space<smem>>
      %slice3A_223 = vector.extract_strided_slice %mul3A_59 {offsets = [0, 0, 0], sizes = [1, 392, 128], strides = [1, 1, 1]} : vector<8x392x128xf32> to vector<1x392x128xf32>
      %squeeze3A_224 = vector.shape_cast %slice3A_223 : vector<1x392x128xf32> to vector<392x128xf32>
      %reduce_max3A = vector.shape_cast %squeeze3A_224 : vector<392x128xf32> to vector<1x392x128xf32>
      %reduce_max3A_225 = arith.constant dense<0xFF800000> : vector<1xf32>
      %reduce_max3A_226 = vector.multi_reduction <maximumf>, %reduce_max3A, %reduce_max3A_225 [1, 2] : vector<1x392x128xf32> to vector<1xf32>
      %reduce_max3A_227 = vector.shape_cast %reduce_max3A_226 : vector<1xf32> to vector<1x1x1xf32>
      %reduce_max3A_228 = vector.extract %reduce_max3A_227[0, 0, 0] : f32 from vector<1x1x1xf32>
      %swap3A_229 = arith.constant 3 : index
      %swap3A_230 = memref.load %arg7[%swap3A_229] : memref<8xf32, #tpu.memory_space<smem>>
      memref.store %reduce_max3A_228, %arg7[%swap3A_229] : memref<8xf32, #tpu.memory_space<smem>>
      %swap3A_231 = arith.constant 4 : index
      %swap3A_232 = memref.load %arg7[%swap3A_231] : memref<8xf32, #tpu.memory_space<smem>>
      memref.store %reduce_sum3A_76, %arg7[%swap3A_231] : memref<8xf32, #tpu.memory_space<smem>>
      %slice3A_233 = vector.extract_strided_slice %dot_general3A_10 {offsets = [1, 0], sizes = [1, 1], strides = [1, 1]} : vector<8x32xf32> to vector<1x1xf32>
      %reduce_sum3A_234 = vector.shape_cast %slice3A_233 : vector<1x1xf32> to vector<1x1x1xf32>
      %reduce_sum3A_235 = arith.constant dense<0.000000e+00> : vector<1xf32>
      %reduce_sum3A_236 = vector.multi_reduction <add>, %reduce_sum3A_234, %reduce_sum3A_235 [1, 2] : vector<1x1x1xf32> to vector<1xf32>
      %reduce_sum3A_237 = vector.shape_cast %reduce_sum3A_236 : vector<1xf32> to vector<1x1x1xf32>
      %reduce_sum3A_238 = vector.extract %reduce_sum3A_237[0, 0, 0] : f32 from vector<1x1x1xf32>
      %swap3A_239 = arith.constant 5 : index
      %swap3A_240 = memref.load %arg7[%swap3A_239] : memref<8xf32, #tpu.memory_space<smem>>
      memref.store %reduce_sum3A_238, %arg7[%swap3A_239] : memref<8xf32, #tpu.memory_space<smem>>
    } else {
    }
    %gt3A_184 = arith.constant 0 : i32
    %gt3A_185 = arith.cmpi sgt, %arg0, %gt3A_184 : i32
    %convert_element_type3A_186 = arith.extui %gt3A_185 : i1 to i32
    %cond3A_187 = arith.constant 0 : i32
    %cond3A_188 = arith.cmpi ne, %convert_element_type3A_186, %cond3A_187 : i32
    scf.if %cond3A_188 {
      %get3A_194 = arith.constant 0 : index
      %get3A_195 = arith.constant 0 : index
      %get3A_196 = vector.load %arg6[%get3A_194, %get3A_195] : memref<8x32xf32, #tpu.memory_space<vmem>>, vector<1x32xf32>
      %add3A_197 = arith.addf %get3A_196, %add3A_180 : vector<1x32xf32>
      %swap3A = arith.constant 0 : index
      %swap3A_198 = arith.constant 0 : index
      %swap3A_199 = vector.load %arg6[%swap3A, %swap3A_198] : memref<8x32xf32, #tpu.memory_space<vmem>>, vector<1x32xf32>
      tpu.vector_store %arg6[%swap3A, %swap3A_198], %add3A_197 {strides = array<i32>} : memref<8x32xf32, #tpu.memory_space<vmem>>, vector<1x32xf32>,
      %get3A_200 = arith.constant 1 : index
      %get3A_201 = arith.constant 0 : index
      %get3A_202 = vector.load %arg6[%get3A_200, %get3A_201] : memref<8x32xf32, #tpu.memory_space<vmem>>, vector<1x32xf32>
      %add3A_203 = arith.addf %get3A_202, %broadcast_in_dim3A_49 : vector<1x32xf32>
      %swap3A_204 = arith.constant 1 : index
      %swap3A_205 = arith.constant 0 : index
      %swap3A_206 = vector.load %arg6[%swap3A_204, %swap3A_205] : memref<8x32xf32, #tpu.memory_space<vmem>>, vector<1x32xf32>
      tpu.vector_store %arg6[%swap3A_204, %swap3A_205], %add3A_203 {strides = array<i32>} : memref<8x32xf32, #tpu.memory_space<vmem>>, vector<1x32xf32>,
      %get3A_207 = arith.constant 0 : index
      %get3A_208 = memref.load %arg7[%get3A_207] : memref<8xf32, #tpu.memory_space<smem>>
      %add3A_209 = arith.addf %get3A_208, %reduce_sum3A_71 : f32
      %swap3A_210 = arith.constant 0 : index
      %swap3A_211 = memref.load %arg7[%swap3A_210] : memref<8xf32, #tpu.memory_space<smem>>
      memref.store %add3A_209, %arg7[%swap3A_210] : memref<8xf32, #tpu.memory_space<smem>>
      %get3A_212 = arith.constant 4 : index
      %get3A_213 = memref.load %arg7[%get3A_212] : memref<8xf32, #tpu.memory_space<smem>>
      %add3A_214 = arith.addf %get3A_213, %reduce_sum3A_76 : f32
      %swap3A_215 = arith.constant 4 : index
      %swap3A_216 = memref.load %arg7[%swap3A_215] : memref<8xf32, #tpu.memory_space<smem>>
      memref.store %add3A_214, %arg7[%swap3A_215] : memref<8xf32, #tpu.memory_space<smem>>
    } else {
    }
    %eq3A_189 = arith.constant 11 : i32
    %eq3A_190 = arith.cmpi eq, %arg0, %eq3A_189 : i32
    %convert_element_type3A_191 = arith.extui %eq3A_190 : i1 to i32
    %cond3A_192 = arith.constant 0 : i32
    %cond3A_193 = arith.cmpi ne, %convert_element_type3A_191, %cond3A_192 : i32
    scf.if %cond3A_193 {
      %get3A_194 = arith.constant 2 : index
      %get3A_195 = memref.load %arg7[%get3A_194] : memref<8xf32, #tpu.memory_space<smem>>
      %get3A_196 = arith.constant 3 : index
      %get3A_197 = memref.load %arg7[%get3A_196] : memref<8xf32, #tpu.memory_space<smem>>
      %sub3A_198 = arith.subf %get3A_197, %get3A_195 : f32
      %div3A_199 = arith.constant 3.200000e+01 : f32
      %div3A_200 = arith.divf %sub3A_198, %div3A_199 : f32
      %get3A_201 = arith.constant 0 : index
      %get3A_202 = arith.constant 0 : index
      %get3A_203 = vector.load %arg6[%get3A_201, %get3A_202] : memref<8x32xf32, #tpu.memory_space<vmem>>, vector<1x32xf32>
      %get3A_204 = arith.constant 0 : index
      %get3A_205 = arith.constant 0 : index
      %get3A_206 = vector.load %arg4[%get3A_204, %get3A_205] : memref<96x32xf32, #tpu.memory_space<vmem>>, vector<96x32xf32>
      %reduce_sum3A_207 = arith.constant dense<0.000000e+00> : vector<32xf32>
      %reduce_sum3A_208 = vector.multi_reduction <add>, %get3A_206, %reduce_sum3A_207 [0] : vector<96x32xf32> to vector<32xf32>
      %broadcast_in_dim3A_209 = vector.shape_cast %reduce_sum3A_208 : vector<32xf32> to vector<1x32xf32>
      %add3A_210 = arith.addf %get3A_203, %broadcast_in_dim3A_209 : vector<1x32xf32>
      %get3A_211 = arith.constant 2 : index
      %get3A_212 = arith.constant 0 : index
      %get3A_213 = vector.load %arg6[%get3A_211, %get3A_212] : memref<8x32xf32, #tpu.memory_space<vmem>>, vector<1x32xf32>
      %get3A_214 = arith.constant 5 : index
      %get3A_215 = memref.load %arg7[%get3A_214] : memref<8xf32, #tpu.memory_space<smem>>
      %reshape3A_216 = vector.broadcast %get3A_215 : f32 to vector<1x1xf32>
      %iota3A_217 = tpu.iota {dimensions = array<i32: 0>} : vector<64x1xi32>
      %convert_element_type3A_218 = arith.sitofp %iota3A_217 : vector<64x1xi32> to vector<64x1xf32>
      %add3A_219 = arith.constant 1.000000e+00 : f32
      %add3A_220 = vector.broadcast %add3A_219 : f32 to vector<64x1xf32>
      %add3A_221 = arith.addf %convert_element_type3A_218, %add3A_220 : vector<64x1xf32>
      %lt3A = vector.broadcast %get3A_213 : vector<1x32xf32> to vector<64x32xf32>
      %lt3A_222 = vector.broadcast %add3A_221 : vector<64x1xf32> to vector<64x32xf32>
      %lt3A_223 = arith.cmpf olt, %lt3A, %lt3A_222 : vector<64x32xf32>
      %jit3A_224 = arith.constant 1.000000e+00 : f32
      %jit3A_225 = arith.constant 0.000000e+00 : f32
      %broadcast_in_dim3A_226 = vector.broadcast %jit3A_224 : f32 to vector<64x32xf32>
      %broadcast_in_dim3A_227 = vector.broadcast %jit3A_225 : f32 to vector<64x32xf32>
      %select_n3A_228 = arith.select %lt3A_223, %broadcast_in_dim3A_226, %broadcast_in_dim3A_227 : vector<64x32xi1>, vector<64x32xf32>
      %reduce_sum3A_229 = arith.constant dense<0.000000e+00> : vector<64xf32>
      %reduce_sum3A_230 = vector.multi_reduction <add>, %select_n3A_228, %reduce_sum3A_229 [1] : vector<64x32xf32> to vector<64xf32>
      %broadcast_in_dim3A_231 = vector.shape_cast %reduce_sum3A_230 : vector<64xf32> to vector<64x1xf32>
      %iota3A_232 = tpu.iota {dimensions = array<i32: 1>} : vector<1x64xi32>
      %convert_element_type3A_233 = arith.sitofp %iota3A_232 : vector<1x64xi32> to vector<1x64xf32>
      %eq3A_234 = vector.broadcast %broadcast_in_dim3A_231 : vector<64x1xf32> to vector<64x64xf32>
      %eq3A_235 = vector.broadcast %convert_element_type3A_233 : vector<1x64xf32> to vector<64x64xf32>
      %eq3A_236 = arith.cmpf oeq, %eq3A_234, %eq3A_235 : vector<64x64xf32>
      %jit3A_237 = arith.constant 1.000000e+00 : f32
      %jit3A_238 = arith.constant 0.000000e+00 : f32
      %broadcast_in_dim3A_239 = vector.broadcast %jit3A_237 : f32 to vector<64x64xf32>
      %broadcast_in_dim3A_240 = vector.broadcast %jit3A_238 : f32 to vector<64x64xf32>
      %select_n3A_241 = arith.select %eq3A_236, %broadcast_in_dim3A_239, %broadcast_in_dim3A_240 : vector<64x64xi1>, vector<64x64xf32>
      %broadcast_in_dim3A_242 = arith.constant 0.000000e+00 : f32
      %broadcast_in_dim3A_243 = vector.broadcast %broadcast_in_dim3A_242 : f32 to vector<1x1xf32>
      %slice3A_244 = vector.extract_strided_slice %get3A_213 {offsets = [0, 0], sizes = [1, 31], strides = [1, 1]} : vector<1x32xf32> to vector<1x31xf32>
      %broadcast_in_dim3A_245 = arith.constant 0.000000e+00 : f32
      %broadcast_in_dim3A_246 = vector.broadcast %broadcast_in_dim3A_245 : f32 to vector<1x32xf32>
      %concatenate3A = tpu.concatenate %broadcast_in_dim3A_243, %slice3A_244, %broadcast_in_dim3A_246 in 1 : vector<1x1xf32>, vector<1x31xf32>, vector<1x32xf32> -> vector<1x64xf32>
      %broadcast_in_dim3A_247 = arith.constant 0.000000e+00 : f32
      %broadcast_in_dim3A_248 = vector.broadcast %broadcast_in_dim3A_247 : f32 to vector<1x31xf32>
      %concatenate3A_249 = tpu.concatenate %get3A_213, %reshape3A_216, %broadcast_in_dim3A_248 in 1 : vector<1x32xf32>, vector<1x1xf32>, vector<1x31xf32> -> vector<1x64xf32>
      %mul3A_250 = vector.broadcast %concatenate3A : vector<1x64xf32> to vector<64x64xf32>
      %mul3A_251 = arith.mulf %select_n3A_241, %mul3A_250 : vector<64x64xf32>
      %reduce_sum3A_252 = arith.constant dense<0.000000e+00> : vector<64xf32>
      %reduce_sum3A_253 = vector.multi_reduction <add>, %mul3A_251, %reduce_sum3A_252 [1] : vector<64x64xf32> to vector<64xf32>
      %broadcast_in_dim3A_254 = vector.shape_cast %reduce_sum3A_253 : vector<64xf32> to vector<64x1xf32>
      %mul3A_255 = vector.broadcast %concatenate3A_249 : vector<1x64xf32> to vector<64x64xf32>
      %mul3A_256 = arith.mulf %select_n3A_241, %mul3A_255 : vector<64x64xf32>
      %reduce_sum3A_257 = arith.constant dense<0.000000e+00> : vector<64xf32>
      %reduce_sum3A_258 = vector.multi_reduction <add>, %mul3A_256, %reduce_sum3A_257 [1] : vector<64x64xf32> to vector<64xf32>
      %broadcast_in_dim3A_259 = vector.shape_cast %reduce_sum3A_258 : vector<64xf32> to vector<64x1xf32>
      %sub3A_260 = arith.subf %add3A_221, %broadcast_in_dim3A_254 : vector<64x1xf32>
      %add3A_261 = arith.constant 9.99999993E-9 : f32
      %add3A_262 = vector.broadcast %add3A_261 : f32 to vector<64x1xf32>
      %add3A_263 = arith.addf %add3A_262, %broadcast_in_dim3A_259 : vector<64x1xf32>
      %div3A_264 = arith.divf %sub3A_260, %add3A_263 : vector<64x1xf32>
      %jit3A_265 = arith.constant 0.000000e+00 : f32
      %jit3A_266 = arith.constant 1.000000e+00 : f32
      %max3A_267 = vector.broadcast %jit3A_265 : f32 to vector<64x1xf32>
      %max3A_268 = arith.maximumf %max3A_267, %div3A_264 : vector<64x1xf32>
      %min3A_269 = vector.broadcast %jit3A_266 : f32 to vector<64x1xf32>
      %min3A_270 = arith.minimumf %min3A_269, %max3A_268 : vector<64x1xf32>
      %add3A_271 = arith.addf %min3A_270, %broadcast_in_dim3A_231 : vector<64x1xf32>
      %mul3A_272 = vector.broadcast %div3A_200 : f32 to vector<64x1xf32>
      %mul3A_273 = arith.mulf %add3A_271, %mul3A_272 : vector<64x1xf32>
      %add3A_274 = vector.broadcast %get3A_195 : f32 to vector<64x1xf32>
      %add3A_275 = arith.addf %add3A_274, %mul3A_273 : vector<64x1xf32>
      %slice3A_276 = vector.extract_strided_slice %add3A_275 {offsets = [1, 0], sizes = [32, 1], strides = [1, 1]} : vector<64x1xf32> to vector<32x1xf32>
      %slice3A_277 = vector.extract_strided_slice %add3A_275 {offsets = [0, 0], sizes = [32, 1], strides = [1, 1]} : vector<64x1xf32> to vector<32x1xf32>
      %sub3A_278 = arith.subf %slice3A_276, %slice3A_277 : vector<32x1xf32>
      %mul3A_279 = arith.mulf %add3A_275, %add3A_275 : vector<64x1xf32>
      %slice3A_280 = vector.extract_strided_slice %mul3A_279 {offsets = [1, 0], sizes = [32, 1], strides = [1, 1]} : vector<64x1xf32> to vector<32x1xf32>
      %slice3A_281 = vector.extract_strided_slice %mul3A_279 {offsets = [0, 0], sizes = [32, 1], strides = [1, 1]} : vector<64x1xf32> to vector<32x1xf32>
      %sub3A_282 = arith.subf %slice3A_280, %slice3A_281 : vector<32x1xf32>
      %slice3A_283 = vector.extract_strided_slice %add3A_275 {offsets = [0, 0], sizes = [1, 1], strides = [1, 1]} : vector<64x1xf32> to vector<1x1xf32>
      %dot_general3A_284 = arith.constant dense<0.000000e+00> : vector<1x1xf32>
      %dot_general3A_285 = tpu.matmul %add3A_210, %sub3A_278, %dot_general3A_284 {dimension_numbers = #tpu.dot_dimension_numbers<[1], [0], [0], [1], [0, 0, 1, 1], [], []>, transpose_lhs_hint = false} : vector<1x32xf32>, vector<32x1xf32>, vector<1x1xf32> -> vector<1x1xf32>
      %get3A_286 = arith.constant 1 : index
      %get3A_287 = arith.constant 0 : index
      %get3A_288 = vector.load %arg6[%get3A_286, %get3A_287] : memref<8x32xf32, #tpu.memory_space<vmem>>, vector<1x32xf32>
      %dot_general3A_289 = arith.constant dense<0.000000e+00> : vector<1x1xf32>
      %dot_general3A_290 = tpu.matmul %get3A_288, %sub3A_282, %dot_general3A_289 {dimension_numbers = #tpu.dot_dimension_numbers<[1], [0], [0], [1], [0, 0, 1, 1], [], []>, transpose_lhs_hint = false} : vector<1x32xf32>, vector<32x1xf32>, vector<1x1xf32> -> vector<1x1xf32>
      %get3A_291 = arith.constant 0 : index
      %get3A_292 = memref.load %arg7[%get3A_291] : memref<8xf32, #tpu.memory_space<smem>>
      %get3A_293 = arith.constant 4 : index
      %get3A_294 = memref.load %arg7[%get3A_293] : memref<8xf32, #tpu.memory_space<smem>>
      %mul3A_295 = vector.broadcast %get3A_294 : f32 to vector<1x1xf32>
      %mul3A_296 = arith.mulf %slice3A_283, %mul3A_295 : vector<1x1xf32>
      %add3A_297 = arith.addf %mul3A_296, %dot_general3A_285 : vector<1x1xf32>
      %mul3A_298 = arith.constant 2.000000e+00 : f32
      %mul3A_299 = vector.broadcast %mul3A_298 : f32 to vector<1x1xf32>
      %mul3A_300 = arith.mulf %mul3A_299, %add3A_297 : vector<1x1xf32>
      %sub3A_301 = vector.broadcast %get3A_292 : f32 to vector<1x1xf32>
      %sub3A_302 = arith.subf %sub3A_301, %mul3A_300 : vector<1x1xf32>
      %mul3A_303 = arith.constant 0x4A930000 : f32
      %mul3A_304 = vector.broadcast %mul3A_303 : f32 to vector<1x1xf32>
      %mul3A_305 = arith.mulf %mul3A_304, %slice3A_283 : vector<1x1xf32>
      %mul3A_306 = arith.mulf %mul3A_305, %slice3A_283 : vector<1x1xf32>
      %add3A_307 = arith.addf %mul3A_306, %dot_general3A_290 : vector<1x1xf32>
      %add3A_308 = arith.addf %sub3A_302, %add3A_307 : vector<1x1xf32>
      %mul3A_309 = arith.constant 4.13748766E-12 : f32
      %mul3A_310 = vector.broadcast %mul3A_309 : f32 to vector<1x1xf32>
      %mul3A_311 = arith.mulf %add3A_308, %mul3A_310 : vector<1x1xf32>
      %get3A_312 = arith.constant 1 : index
      %get3A_313 = memref.load %arg7[%get3A_312] : memref<8xf32, #tpu.memory_space<smem>>
      %mul3A_314 = vector.broadcast %get3A_313 : f32 to vector<1x1xf32>
      %mul3A_315 = arith.mulf %mul3A_311, %mul3A_314 : vector<1x1xf32>
      %swap3A = arith.constant 0 : index
      %swap3A_316 = arith.constant 0 : index
      %swap3A_317 = vector.load %arg5[%swap3A, %swap3A_316] : memref<1x1xf32, #tpu.memory_space<vmem>>, vector<1x1xf32>
      tpu.vector_store %arg5[%swap3A, %swap3A_316], %mul3A_315 {strides = array<i32>} : memref<1x1xf32, #tpu.memory_space<vmem>>, vector<1x1xf32>,
    } else {
    }
    return
  }
  func.func @transform_0(%arg0: i32) -> (i32, i32, i32) {
    %c0_i32 = arith.constant 0 : i32
    %c0_i32_0 = arith.constant 0 : i32
    %c0_i32_1 = arith.constant 0 : i32
    return %arg0, %c0_i32, %c0_i32_0 : i32, i32, i32
  }
  func.func @transform_1(%arg0: i32) -> (i32, i32, i32) {
    %c0_i32 = arith.constant 0 : i32
    %c0_i32_0 = arith.constant 0 : i32
    %c0_i32_1 = arith.constant 0 : i32
    %c0_i32_2 = arith.constant 0 : i32
    return %c0_i32, %c0_i32_0, %c0_i32_1 : i32, i32, i32
  }
  func.func @transform_2(%arg0: i32) -> (i32, i32) {
    %c0_i32 = arith.constant 0 : i32
    %c0_i32_0 = arith.constant 0 : i32
    return %arg0, %c0_i32 : i32, i32
  }
  func.func @transform_3(%arg0: i32) -> (i32, i32) {
    %c0_i32 = arith.constant 0 : i32
    %c0_i32_0 = arith.constant 0 : i32
    %c0_i32_1 = arith.constant 0 : i32
    return %c0_i32, %c0_i32_0 : i32, i32
  }
  func.func @transform_4(%arg0: i32) -> (i32, i32) {
    %c0_i32 = arith.constant 0 : i32
    %c0_i32_0 = arith.constant 0 : i32
    %c0_i32_1 = arith.constant 0 : i32
    return %c0_i32, %c0_i32_0 : i32, i32
  }
}

</mosaic_0001>

<sc_bundles>
// kernel: kernel.4.cloned.1.call-start
scs
__scs_entry_jumppad:
0x0: {  	(pc) =	sbr.rel $0x88, $3  }
0x1: {  	(tag) =	ssettag $0x0;
	lr =	simm.s32 $0x1  }
0x2: {  	[smem:$0x3F9E] =	sst lr;
	_ =	strace $0xD0000000  }
0x3: {  	_ = 	snop  }
0x4: {  	_ = 	snop  }
0x5: {  	_ = 	snop  }
0x6: {  	_ = 	snop  }
0x7: {  	_ = 	snop  }
__scs_overlays_trampoline_lowered:
0x8: {  	[smem:$0x3FAD] =	sst s0  }
0x9: {  	[smem:$0x3FAE] =	sst s1  }
0xa: {  	[smem:$0x3FAF] =	sst s2  }
0xb: {  	[smem:$0x3FB0] =	sst s3  }
0xc: {  	[smem:$0x3FB1] =	sst s4  }
0xd: {  	[smem:$0x3FB2] =	sst s5  }
0xe: {  	[smem:$0x3FB3] =	sst s6  }
0xf: {  	[smem:$0x3FB4] =	sst s7  }
0x10: {  	[smem:$0x3FB5] =	sst s8  }
0x11: {  	[smem:$0x3FB6] =	sst s9;
	s0 =	simm.s32 @!p0 $0x0  }
0x12: {  	s1 =	sld [smem:$0x3F9C];
	s0 =	simm.s32 @p0 $0x1  }
0x13: {  	[smem:$0x3FB7] =	sst s0;
	s0 =	simm.s32 @!p1 $0x0  }
0x14: {  	s2 =	sld [smem:$0x3F9B];
	s0 =	simm.s32 @p1 $0x1  }
0x15: {  	[smem:$0x3FB8] =	sst s0;
	s0 =	simm.s32 @!p2 $0x0  }
0x16: {  	s3 =	sld [smem:$0x3FDB];
	s0 =	simm.s32 @p2 $0x1  }
0x17: {  	s4 =	simm.s32 $0x1BF5;
	[smem:$0x3FBA] =	sst s0  }
0x18: {  	s0 =	sld [smem:$0x3F9D];
	_ =	swait.ge [sflag:s4], $0x0  }
0x19: {  	s7 =	sld [smem:$0x3F9E]  }
0x1a: {  	s8 =	sadd.s32 $0xFFFFE003, lr  }
0x1b: {  	s9 =	sadd.s32 $0xFFFFFEF7, lr;
	s5 =	simm.s32 $0xFFFFFFFF;
	p2 =	slt.u32 s8, $0xFFFFF086  }
0x1c: {  	p1 =	slt.u32 s9, $0xF7A;
	s5 =	simm.s32 @!p2 $0x0  }
0x1d: {  	s5 =	simm.s32 @p1 $0x1;
	p0 =	seq.s32 s7, s2  }
0x1e: {  	s7 =	smul.u32 @!p0 $0xF7A, s2;
	p2 =	seq.s32 @!p0 s5, $0x0  }
0x1f: {  	s9 =	smul.u32 $0xF7A, s1;
	s8 =	simm.s32 @!p0 $0x1BF5;
	p2 =	por !p2, p0  }
0x20: {  	[sflag:s8] =	ssyncset.s32 @!p0 $0xFFFFF086;
	s6 =	sadd.s32 @!p0 s3, s7;
	s7 =	simm.s32 @!p0 $0x108  }
0x21: {  	s3 =	sadd.s32 s3, s9;
	s6 =	sadd.s32 @!p0 $0x88, s6;
	s7 =	simm.s32 @p2 $0x1082  }
0x22: {  	[simem:s7], [sflag:s8] =	dma.local @!p0 [hbm:s6], $0xF7A  }
0x23: {  	s9 =	sor.u32 $0xD0000000, s2;
	s6 =	simm.s32 $0x108;
	_ =	swait.ge @!p0 [sflag:s8], $0x0  }
0x24: {  	s3 =	sadd.s32 $0x88, s3;
	s6 =	simm.s32 @!p1 $0x1082;
	[sflag:s4] =	ssyncset.s32 $0xFFFFF086  }
0x25: {  	[simem:s6], [sflag:s4] =	dma.local [hbm:s3], $0xF7A  }
0x26: {  	[smem:$0x3F9E] =	sst s1;
	(tag) =	ssettag s2;
	_ =	strace s9  }
0x27: {  	s1 =	sld [smem:$0x3FAE]  }
0x28: {  	s2 =	sld [smem:$0x3FAF]  }
0x29: {  	s4 =	sld [smem:$0x3FB1]  }
0x2a: {  	p0 =	seq.s32 s5, $0x0;
	s5 =	sld [smem:$0x3FB2]  }
0x2b: {  	s6 =	sld [smem:$0x3FB3]  }
0x2c: {  	s7 =	sld [smem:$0x3FB4]  }
0x2d: {  	s3 =	simm.s32 $0x108;
	s8 =	sld [smem:$0x3FB5]  }
0x2e: {  	s3 =	simm.s32 @!p0 $0x1082;
	s9 =	sld [smem:$0x3FB6]  }
0x2f: {  	lr =	sadd.s32 s0, s3;
	s0 =	sld [smem:$0x3FAD]  }
0x30: {  	s3 =	sld [smem:$0x3FB0]  }
0x31: {  	[smem:$0x3FB9] =	sst s10  }
0x32: {  	s10 =	sld [smem:$0x3FB7];
	_ =	sdelay $0x3  }
0x33: {  	p0 =	seq.s32 s10, $0x1;
	s10 =	sld [smem:$0x3FB9];
	_ =	sdelay $0x3  }
0x34: {  	[smem:$0x3FB9] =	sst s10  }
0x35: {  	s10 =	sld [smem:$0x3FB8];
	_ =	sdelay $0x3  }
0x36: {  	p1 =	seq.s32 s10, $0x1;
	s10 =	sld [smem:$0x3FB9];
	_ =	sdelay $0x3  }
0x37: {  	[smem:$0x3FB9] =	sst s10  }
0x38: {  	s10 =	sld [smem:$0x3FBA]  }
0x39: {  	_ = 	snop;
	(pc) =	sbr.ind lr, $3  }
0x3a: {  	_ = 	snop  }
0x3b: {  	_ = 	snop  }
0x3c: {  	p2 =	seq.s32 s10, $0x1;
	s10 =	sld [smem:$0x3FB9]  }
0x3d: {  	_ =	shalt  }
0x3e: {  	_ =	shalt  }
0x3f: {  	_ =	shalt  }
0x40: {  	_ =	shalt  }
0x41: {  	_ =	shalt  }
0x42: {  	_ =	shalt  }
0x43: {  	_ =	shalt  }
0x44: {  	_ =	shalt  }
0x45: {  	_ =	shalt  }
0x46: {  	_ =	shalt  }
0x47: {  	_ =	shalt  }
0x48: {  	_ =	shalt  }
0x49: {  	_ =	shalt  }
0x4a: {  	_ =	shalt  }
0x4b: {  	_ =	shalt  }
0x4c: {  	_ =	shalt  }
0x4d: {  	_ =	shalt  }
0x4e: {  	_ =	shalt  }
0x4f: {  	_ =	shalt  }
0x50: {  	_ =	shalt  }
0x51: {  	_ =	shalt  }
0x52: {  	_ =	shalt  }
0x53: {  	_ =	shalt  }
0x54: {  	_ =	shalt  }
0x55: {  	_ =	shalt  }
0x56: {  	_ =	shalt  }
0x57: {  	_ =	shalt  }
0x58: {  	_ =	shalt  }
0x59: {  	_ =	shalt  }
0x5a: {  	_ =	shalt  }
0x5b: {  	_ =	shalt  }
0x5c: {  	_ =	shalt  }
0x5d: {  	_ =	shalt  }
0x5e: {  	_ =	shalt  }
0x5f: {  	_ =	shalt  }
0x60: {  	_ =	shalt  }
0x61: {  	_ =	shalt  }
0x62: {  	_ =	shalt  }
0x63: {  	_ =	shalt  }
0x64: {  	_ =	shalt  }
0x65: {  	_ =	shalt  }
0x66: {  	_ =	shalt  }
0x67: {  	_ =	shalt  }
0x68: {  	_ =	shalt  }
0x69: {  	_ =	shalt  }
0x6a: {  	_ =	shalt  }
0x6b: {  	_ =	shalt  }
0x6c: {  	_ =	shalt  }
0x6d: {  	_ =	shalt  }
0x6e: {  	_ =	shalt  }
0x6f: {  	_ =	shalt  }
0x70: {  	_ =	shalt  }
0x71: {  	_ =	shalt  }
0x72: {  	_ =	shalt  }
0x73: {  	_ =	shalt  }
0x74: {  	_ =	shalt  }
0x75: {  	_ =	shalt  }
0x76: {  	_ =	shalt  }
0x77: {  	_ =	shalt  }
0x78: {  	_ =	shalt  }
0x79: {  	_ =	shalt  }
0x7a: {  	_ =	shalt  }
0x7b: {  	_ =	shalt  }
0x7c: {  	_ =	shalt  }
0x7d: {  	_ =	shalt  }
0x7e: {  	_ =	shalt  }
0x7f: {  	_ =	shalt  }
0x80: {  	_ =	shalt  }
0x81: {  	_ =	shalt  }
0x82: {  	_ =	shalt  }
0x83: {  	_ =	shalt  }
0x84: {  	_ =	shalt  }
0x85: {  	_ =	shalt  }
0x86: {  	_ =	shalt  }
0x87: {  	_ =	shalt  }
.Lfunc_end0:
.L_simem_size_0:
called_computation_lowered:
.L_overlay_start_0:
0x88: {  	s2 =	sld [smem:$0x3FD9]  }
0x89: {  	s3 =	sld [smem:$0x3FFE];
	_ =	sdelay $0x1  }
0x8a: {  	s1 =	srdreg.scid  }
0x8b: {  	s0 =	sand.u32 $0x1, s1  }
0x8c: {  	s16 =	sshll.u32 s0, $0xA;
	s2 =	sadd.s32 s3, s2  }
0x8d: {  	s2 =	sadd.s32 s2, s16  }
0x8e: {  	[smem:$0x3FC5] =	sst s2  }
0x8f: {  	_ = 	snop  }
0x90: {  	(tm) =	ssettm $0x1  }
0x91: {  	s17 =	sld [smem:$0x3FFB];
	_ =	sdelay $0x3  }
0x92: {  	_ =	strace s17  }
0x93: {  	s2 =	sld [smem:$0x3FFC];
	_ =	sdelay $0x3  }
0x94: {  	_ =	strace s2  }
0x95: {  	s2 =	sld [smem:$0x3FFD];
	_ =	sdelay $0x3  }
0x96: {  	_ =	strace s2  }
0x97: {  	_ =	strace $0x8FFFFFFF  }
0x98: {  	s18 =	sld [smem:$0x3FDB];
	_ =	sdelay $0x1  }
0x99: {  	s19 =	simm.s32 $_scs_section_size  }
0x9a: {  	s4 =	simm.s32 $_size__tile_overlayer_lowered;
	s5 =	simm.s32 $_tile_overlayer_lowered  }
0x9b: {  	s22 =	simm.s32 $0x1BFF;
	s21 =	sshll.u32 s5, $0x1;
	s2 =	sadd.s32 s19, s18  }
0x9c: {  	s6 =	simm.s32 $0x0;
	s20 =	sshll.u32 s4, $0x1;
	s4 =	sadd.s32 s21, s2  }
0x9d: {  	[timem:s6], [sflag:s22] =	dma.local [hbm:s4], s20  }
0x9e: {  	_ =	swait.ge [sflag:s22], s20  }
0x9f: {  	s3 =	ssub.s32 $0x0, s20;
	[sflag:s22] =	ssyncset.done $0x0  }
0xa0: {  	[sflag:s22] =	ssyncadd.s32 s3;
	_ =	sdelay $0x1  }
0xa1: {  	s23 =	simm.s32 $0x1B8B  }
0xa2: {  	_ =	swait.ge [sflag:s23], $0x1  }
0xa3: {  	[sflag:s23] =	ssyncset.done $0x0  }
0xa4: {  	s25 =	simm.s32 $0x1B8E;
	s24 =	sld [smem:$0x3FFE];
	[sflag:s23] =	ssyncadd.s32 $0xFFFFFFFF  }
0xa5: {  	s26 =	simm.s32 $execute0_lowered;
	[smem:$0x3FD2] =	sst s25  }
0xa6: {  	s4 =	sshll.u32 s26, $0x1;
	_ =	strace $0x80000046;
	[dreg:$0x1] =	wrdreg $0xFFFFFFFF  }
0xa7: {  	s28 =	simm.s32 $_size_execute0_lowered;
	s2 =	sadd.s32 s2, s4;
	[dreg:$0x0] =	wrdreg $0x0  }
0xa8: {  	s4 =	sshll.u32 s28, $0x1;
	[dreg:$0x2] =	wrdreg s2  }
0xa9: {  	[dreg:$0x3] =	wrdreg s4  }
0xaa: {  	[dreg:$0x4] =	wrdreg $0xC0  }
0xab: {  	_ =	task [dreg:s6], $0x5FFFF  }
0xac: {  	[dreg:$0x1] =	wrdreg $0xFFFFFFFF  }
0xad: {  	[dreg:$0x0] =	wrdreg $0x60  }
0xae: {  	[dreg:$0x2] =	wrdreg s24  }
0xaf: {  	[dreg:$0x3] =	wrdreg $0x9  }
0xb0: {  	_ =	task.clear_ibuf [dreg:s6], $0x4FFFF;
	_ =	strace $0x90000046  }
0xb1: {  	s29 =	simm.s32 $0x9;
	_ =	strace $0x80000048  }
0xb2: {  	_ =	swait.ge [sflag:s29], $0x1  }
0xb3: {  	[sflag:s29] =	ssyncadd.s32 $0xFFFFFFFF  }
0xb4: {  	_ =	strace $0x90000048  }
0xb5: {  	_ =	sfence  }
0xb6: {  	s30 =	sld [smem:$0x0];
	_ =	sdelay $0x2  }
0xb7: {  	s31 =	sshll.u32 s1, $0xD;
	s1 =	sshrl.u32 s1, $0x2  }
0xb8: {  	s3 =	sand.u32 $0x4000, s31;
	s1 =	sadd.s32 s1, s30  }
0xb9: {  	s0 =	sor.u32 s3, s0;
	s1 =	sshll.u32 s1, $0x11  }
0xba: {  	s0 =	sor.u32 s1, s0  }
0xbb: {  	s0 =	sadd.s32 $0x8F2B, s0  }
0xbc: {  	[sflag:s0] =	ssyncadd.remote.s32 $0x1  }
0xbd: {  	_ =	sfence.sel $0xFFFF  }
0xbe: {  	[dreg:$0x0] =	wrdreg $0xFFFFFFFF;
	(pc) =	sbr.abs _section_cstart, $3  }
0xbf: {  	[dreg:$0x1] =	wrdreg $0xFFFFFFFF  }
0xc0: {  	_ =	task.clear_ibuf [dreg:s6], $0x2FFFF;
	_ =	strace $0x9FFFFFFF  }
0xc1: {  	(tm) =	ssettm $0x7FFFFFFF  }
tec
execute0_lowered:
.L_overlay_start_1:
0x0: {  	(tag) =	ssettag $0x1  }
0x1: {  	v0 =	vimm.s32 $0xEFCDAB89;
	v1 =	vimm.s32 $0x67452301;
	v2 =	vimm.s32 $0x54761032  }
0x2: {  	v7 =	vimm.s32 $0x32107654;
	v9 =	vimm.s32 $0xFEDCBA98;
	v0 =	vunpack.c.l.s4.s8 v0  }
0x3: {  	v11 =	vimm.s32 $0xEDCBA987;
	v13 =	vimm.s32 $0xDCBA9876;
	v1 =	vunpack.c.l.s4.s8 v1  }
0x4: {  	v6 =	vunpack.c.l.s4.s8 v2;
	v3 =	vunpack.c.0.s8.s32 v0;
	v0 =	vimm.s32 $0xDCFE98BA  }
0x5: {  	v14 =	vimm.s32 $0xE40000;
	v4 =	vunpack.c.0.s8.s32 v1;
	v5 =	vunpack.c.l.s4.s8 v0  }
0x6: {  	v15 =	vimm.s32 $0x32100000;
	v7 =	vunpack.c.l.s4.s8 v7;
	v6 =	vunpack.c.0.s8.s32 v6  }
0x7: {  	v3 =	vcombine.low v4, v3;
	v4 =	vimm.s32 $0xBA98FEDC;
	v5 =	vunpack.c.0.s8.s32 v5  }
0x8: {  	s0 =	srdreg.scid;
	s1 =	stileid.u32;
	vm0 =	vmmov $0x3;
	vm2 =	vcmask $0x3F30;
	v8 =	vunpack.c.l.s4.s8 v4  }
0x9: {  	s0 =	sand.u32 $0x1, s0;
	s1 =	sshll.u32 s1, $0x1;
	v14 =	vunpack.c.l.s2.s4 v14;
	v7 =	vunpack.c.0.s8.s32 v7;
	v5 =	vcombine.low v6, v5  }
0xa: {  	s1 =	sor.u32 s0, s1;
	v6 =	vunpack.c.l.s4.s8 v9;
	v8 =	vunpack.c.0.s8.s32 v8;
	v9 =	vimm.s32 $0x76543210  }
0xb: {  	s7 =	rddreg [dreg:$0x0];
	vm1 =	vmmov $0xf;
	s2 =	smul.u32 $0x498, s1;
	v14 =	vunpack.c.l.s4.s8 v14;
	v9 =	vunpack.c.l.s4.s8 v9  }
0xc: {  	s12 =	simm.s32 $0x2;
	s13 =	simm.s32 $0x20;
	s15 =	simm.s32 $0x200;
	v10 =	vunpack.c.0.s8.s32 v6;
	v7 =	vcombine.low v7, v8;
	v8 =	vunpack.c.l.s4.s8 v11  }
0xd: {  	s16 =	simm.s32 $0x100;
	s17 =	simm.s32 $0x1400;
	s18 =	simm.s32 $0x280;
	v0 =	vmov s2;
	v11 =	vimm.s32 $0x65432100;
	v9 =	vunpack.c.0.s8.s32 v9  }
0xe: {  	s19 =	simm.s32 $0x4400;
	s20 =	simm.s32 $0x180;
	s21 =	simm.s32 $0x2400;
	v11 =	vunpack.c.l.s4.s8 v11;
	v10 =	vand.u32 $0xF, v10;
	v12 =	vunpack.c.0.s8.s32 v8  }
0xf: {  	s22 =	simm.s32 $0x300;
	s23 =	simm.s32 $0x5400;
	s24 =	simm.s32 $0x1;
	v8 =	vcombine.low v10, v9;
	v9 =	vimm.s32 $0x54321000;
	v10 =	vunpack.c.l.s4.s8 v13  }
0x10: {  	s25 =	simm.s32 $0x6400;
	s26 =	simm.s32 $0x0;
	s8 =	sadd.s32 $0xA00, s7;
	v11 =	vunpack.c.0.s8.s32 v11;
	v13 =	vunpack.c.l.s4.s8 v9;
	v9 =	vimm.s32 $0xBA987654  }
0x11: {  	s4 =	sadd.s32 $0x94000, s7;
	s0 =	ssub.s32 $0x2, s0;
	s5 =	smul.u32 $0x3, s1;
	v14 =	vunpack.c.0.s8.s32 v14;
	v12 =	vand.u32 $0xF, v12;
	v16 =	vunpack.c.l.s4.s8 v9  }
0x12: {  	s9 =	sshrl.u32 s0, $0x1;
	s1 =	smul.u32 $0x30, s1;
	s2 =	sadd.s32 $0x310, s2;
	v10 =	vunpack.c.0.s8.s32 v10;
	v9 =	vcombine.low v11, v12;
	v12 =	vunpack.c.l.s4.s8 v15  }
0x13: {  	s10 =	sadd.s32 $0x95A00, s7;
	s0 =	ssub.s32 s0, s9;
	s6 =	sadd.s32 $0x1, s5;
	v2 =	vmov s2;
	v11 =	vunpack.c.0.s8.s32 v13;
	v15 =	vunpack.c.0.s8.s32 v16  }
0x14: {  	s30 =	sshll.u32 s5, $0x4;
	s5 =	sadd.s32 s8, s1;
	s3 =	smul.u32 $0x188, s6;
	v4 =	vand.u32 $0xF, v3;
	v13 =	vand.u32 $0xF, v10;
	v12 =	vunpack.c.0.s8.s32 v12  }
0x15: {  	s2 =	simm.s32 $0x0;
	s31 =	sshll.u32 s6, $0x4;
	s11 =	sadd.s32 $0x20, s30;
	v11 =	vcombine.low v11, v13;
	v13 =	vand.u32 $0xF, v15;
	v15 =	vimm.s32 $0x7060504  }
0x16: {  	[smem:$0x7FF] =	sst s2;
	s6 =	sadd.s32 s8, s31;
	s9 =	sadd.s32 s10, s31;
	v14 =	vand.u32 $0x3, v14;
	v1 =	vmov s3;
	v15 =	vunpack.c.0.s8.s32 v15  }
0x17: {  	_ =	strace $0x80000047;
	s3 =	sadd.s32 $0x1000, s7;
	s7 =	sadd.s32 s8, s11;
	v6 =	vand.u32 $0xF, v5;
	v10 =	vand.u32 $0xF, v7;
	v12 =	vcombine.low v12, v13  }
0x18: {  	s8 =	sadd.s32 s10, s1;
	s10 =	sadd.s32 s10, s11;
	s11 =	smax.u32 s0, $0x1;
	v13 =	vlaneseq.u32;
	v14 =	vsel vm2, v15, v14;
	vm2 =	vmmov $0xff  }
.LBB2_1:
0x19: {  	[tilespmem:s2], [sflag:$0x2] =	stream.linear.gather [hbm4b:s5+s2], $0x80, $0x38;
	[tilespmem:$0x6480] =	vst v63  }
0x1a: {  	_ =	swait.ge [sflag:s12], $0x80  }
0x1b: {  	[sflag:s12] =	ssyncset.done $0x0  }
0x1c: {  	[sflag:s12] =	ssyncadd.s32 $0xFFFFFF80  }
0x1d: {  	v15 =	vld [tilespmem:$0x0]  }
0x1e: {  	v16 =	vld [tilespmem:$0x10];
	_ =	sdelay $0x4  }
0x1f: {  	v17 =	vadd.f32 v16, v15;
	_ =	sdelay $0x1  }
0x20: {  	v18 =	vperm.xlane v17, v4;
	_ =	sdelay $0x1  }
0x21: {  	v17 =	vadd.f32 v18, v17;
	_ =	sdelay $0x1  }
0x22: {  	v18 =	vperm.xlane v17, v6;
	_ =	sdelay $0x1  }
0x23: {  	v17 =	vadd.f32 v18, v17;
	_ =	sdelay $0x1  }
0x24: {  	v18 =	vperm.xlane v17, v10;
	_ =	sdelay $0x1  }
0x25: {  	v17 =	vadd.f32 v18, v17;
	_ =	sdelay $0x1  }
0x26: {  	v18 =	vperm.xlane v17, v8;
	_ =	sdelay $0x1  }
0x27: {  	v17 =	vadd.f32 v18, v17;
	_ =	sdelay $0x1  }
0x28: {  	(erf) = vrcp.f32 v17;
	_ =	sdelay $0x8  }
0x29: {  	v17 =	vpop (erf)  }
0x2a: {  	v17 =	vmul.f32 $5.017600000e+04, v17;
	_ =	sdelay $0x1  }
0x2b: {  	v16 =	vmul.f32 v17, v16  }
0x2c: {  	v15 =	vmul.f32 v17, v15  }
0x2d: {  	v17 =	vperm.xlane v16, v9  }
0x2e: {  	vm3 =	veq.s32 v13, $0x0;
	v18 =	vperm.xlane v15, v9  }
0x2f: {  	v17 =	vsel vm3, $0x0, v17  }
0x30: {  	v18 =	vsel vm3, $0x0, v18;
	v16 =	vadd.f32 v17, v16  }
0x31: {  	v17 =	vadd.f32 v15, v18  }
0x32: {  	v18 =	vperm.xlane v15, v4;
	v19 =	vperm.xlane v16, v11  }
0x33: {  	v20 =	vperm.xlane v17, v11  }
0x34: {  	v15 =	vadd.f32 v18, v15;
	v18 =	vsel vm0, $0x0, v19  }
0x35: {  	v19 =	vsel vm0, $0x0, v20;
	v16 =	vadd.f32 v18, v16  }
0x36: {  	v18 =	vperm.xlane v15, v6;
	v17 =	vadd.f32 v17, v19  }
0x37: {  	v19 =	vperm.xlane v16, v12  }
0x38: {  	v15 =	vadd.f32 v18, v15;
	v18 =	vperm.xlane v17, v12  }
0x39: {  	v19 =	vsel vm1, $0x0, v19  }
0x3a: {  	v59 =	vperm.xlane v15, v10;
	v18 =	vsel vm1, $0x0, v18;
	v16 =	vadd.f32 v19, v16  }
0x3b: {  	v17 =	vadd.f32 v17, v18  }
0x3c: {  	v15 =	vadd.f32 v59, v15;
	v18 =	vperm.xlane v16, v14  }
0x3d: {  	v19 =	vperm.xlane v17, v14  }
0x3e: {  	v20 =	vperm.xlane v15, v8;
	v18 =	vsel vm2, $0x0, v18  }
0x3f: {  	v19 =	vsel vm2, $0x0, v19;
	v16 =	vadd.f32 v18, v16  }
0x40: {  	v15 =	vadd.f32 v20, v15;
	v17 =	vadd.f32 v17, v19;
	_ =	sdelay $0x1  }
0x41: {  	v15 =	vadd.f32 v15, v16;
	v16 =	vtrunc.f32 v17  }
0x42: {  	v16 =	vcvt.f32.s32 v16  }
0x43: {  	v15 =	vtrunc.f32 v15  }
0x44: {  	v15 =	vcvt.f32.s32 v15;
	vm4 =	vgt.s32 v16, $0x0  }
0x45: {  	v16 =	vnsel vm4, $0x0, v16  }
0x46: {  	vm13 =	vgt.s32 v15, $0x0;
	v16 =	vmin.u32 v16, $0xC400  }
0x47: {  	v15 =	vnsel vm13, $0x0, v15;
	v17 =	vshrl.u32 v16, $0x7  }
0x48: {  	v15 =	vmin.u32 v15, $0xC400;
	v17 =	vmin.u32 v17, $0x187  }
0x49: {  	v18 =	vshrl.u32 v15, $0x7;
	v19 =	vadd.s32 v0, v17;
	[tilespmem:$0x200] =	vst v17  }
0x4a: {  	v17 =	vshll.u32 v17, $0x7;
	v18 =	vmin.u32 v18, $0x187;
	[tilespmem:$0x80] =	vst v19  }
0x4b: {  	v16 =	vsub.s32 v16, v17;
	[tilespmem:$0x210] =	vst v18  }
0x4c: {  	v19 =	vadd.s32 v0, v18;
	v17 =	vshll.u32 v18, $0x7;
	[tilespmem:$0x380] =	vst v16  }
0x4d: {  	[tilespmem:$0x90] =	vst v19;
	v15 =	vsub.s32 v15, v17  }
0x4e: {  	s28 =	simm.s32 $0x400;
	s0 =	simm.s32 $0x80;
	[tilespmem:$0x390] =	vst v15  }
0x4f: {  	[tilespmem:s28], [sflag:$0x1] =	stream.indirect.gather [hbm4b:s3+s13], $0x80, s0, s13, $0xb8;
	[tilespmem:$0x6480] =	vst v63  }
0x50: {  	s14 =	simm.s32 $0x3400  }
0x51: {  	[tilespmem:s14], [sflag:$0x1] =	stream.indirect.gather [hbm4b:s4+s13], $0x80, s15, s13, $0xb8;
	[tilespmem:$0x6480] =	vst v63  }
0x52: {  	_ = 	snop  }
0x53: {  	[tilespmem:s2], [sflag:$0x2] =	stream.linear.gather [hbm4b:s6+s2], $0x80, $0x38;
	[tilespmem:$0x6480] =	vst v63  }
0x54: {  	_ =	swait.ge [sflag:s12], $0x80  }
0x55: {  	[sflag:s12] =	ssyncset.done $0x0  }
0x56: {  	[sflag:s12] =	ssyncadd.s32 $0xFFFFFF80  }
0x57: {  	v15 =	vld [tilespmem:$0x0]  }
0x58: {  	v16 =	vld [tilespmem:$0x10];
	_ =	sdelay $0x4  }
0x59: {  	v17 =	vadd.f32 v16, v15;
	_ =	sdelay $0x1  }
0x5a: {  	v18 =	vperm.xlane v17, v4;
	_ =	sdelay $0x1  }
0x5b: {  	v17 =	vadd.f32 v18, v17;
	_ =	sdelay $0x1  }
0x5c: {  	v18 =	vperm.xlane v17, v6;
	_ =	sdelay $0x1  }
0x5d: {  	v17 =	vadd.f32 v18, v17;
	_ =	sdelay $0x1  }
0x5e: {  	v18 =	vperm.xlane v17, v10;
	_ =	sdelay $0x1  }
0x5f: {  	v17 =	vadd.f32 v18, v17;
	_ =	sdelay $0x1  }
0x60: {  	v18 =	vperm.xlane v17, v8;
	_ =	sdelay $0x1  }
0x61: {  	v17 =	vadd.f32 v18, v17;
	_ =	sdelay $0x1  }
0x62: {  	(erf) = vrcp.f32 v17;
	_ =	sdelay $0x8  }
0x63: {  	v17 =	vpop (erf)  }
0x64: {  	v17 =	vmul.f32 $5.017600000e+04, v17;
	_ =	sdelay $0x1  }
0x65: {  	v16 =	vmul.f32 v17, v16  }
0x66: {  	v15 =	vmul.f32 v17, v15  }
0x67: {  	v17 =	vperm.xlane v16, v9  }
0x68: {  	v18 =	vperm.xlane v15, v9  }
0x69: {  	v17 =	vsel vm3, $0x0, v17  }
0x6a: {  	v18 =	vsel vm3, $0x0, v18;
	v16 =	vadd.f32 v17, v16  }
0x6b: {  	v17 =	vadd.f32 v15, v18  }
0x6c: {  	v18 =	vperm.xlane v15, v4;
	v19 =	vperm.xlane v16, v11  }
0x6d: {  	v60 =	vperm.xlane v17, v11  }
0x6e: {  	v15 =	vadd.f32 v18, v15;
	v18 =	vsel vm0, $0x0, v19  }
0x6f: {  	v19 =	vsel vm0, $0x0, v60;
	v16 =	vadd.f32 v18, v16  }
0x70: {  	v18 =	vperm.xlane v15, v6;
	v17 =	vadd.f32 v17, v19  }
0x71: {  	v19 =	vperm.xlane v16, v12  }
0x72: {  	v15 =	vadd.f32 v18, v15;
	v18 =	vperm.xlane v17, v12  }
0x73: {  	v19 =	vsel vm1, $0x0, v19  }
0x74: {  	v61 =	vperm.xlane v15, v10;
	v18 =	vsel vm1, $0x0, v18;
	v16 =	vadd.f32 v19, v16  }
0x75: {  	v17 =	vadd.f32 v17, v18  }
0x76: {  	v15 =	vadd.f32 v61, v15;
	v18 =	vperm.xlane v16, v14  }
0x77: {  	v19 =	vperm.xlane v17, v14  }
0x78: {  	v20 =	vperm.xlane v15, v8;
	v18 =	vsel vm2, $0x0, v18  }
0x79: {  	v16 =	vadd.f32 v18, v16;
	v18 =	vsel vm2, $0x0, v19  }
0x7a: {  	v15 =	vadd.f32 v20, v15;
	v17 =	vadd.f32 v17, v18;
	_ =	sdelay $0x1  }
0x7b: {  	v15 =	vadd.f32 v15, v16;
	v16 =	vtrunc.f32 v17  }
0x7c: {  	v16 =	vcvt.f32.s32 v16  }
0x7d: {  	v15 =	vtrunc.f32 v15  }
0x7e: {  	v15 =	vcvt.f32.s32 v15;
	vm14 =	vgt.s32 v16, $0x0  }
0x7f: {  	v16 =	vnsel vm14, $0x0, v16  }
0x80: {  	vm15 =	vgt.s32 v15, $0x0;
	v16 =	vmin.u32 v16, $0xC400  }
0x81: {  	v15 =	vnsel vm15, $0x0, v15;
	v17 =	vshrl.u32 v16, $0x7  }
0x82: {  	v15 =	vmin.u32 v15, $0xC400;
	v17 =	vmin.u32 v17, $0x187  }
0x83: {  	v18 =	vshrl.u32 v15, $0x7;
	v19 =	vadd.s32 v1, v17;
	[tilespmem:$0x280] =	vst v17  }
0x84: {  	v18 =	vmin.u32 v18, $0x187;
	[tilespmem:$0x100] =	vst v19  }
0x85: {  	v17 =	vshll.u32 v17, $0x7;
	v19 =	vadd.s32 v1, v18;
	[tilespmem:$0x290] =	vst v18  }
0x86: {  	v16 =	vsub.s32 v16, v17;
	v17 =	vshll.u32 v18, $0x7;
	[tilespmem:$0x110] =	vst v19  }
0x87: {  	[tilespmem:$0x3A0] =	vst v16;
	v15 =	vsub.s32 v15, v17  }
0x88: {  	[tilespmem:$0x3B0] =	vst v15  }
0x89: {  	[tilespmem:s17], [sflag:$0x1] =	stream.indirect.gather [hbm4b:s3+s13], $0x80, s16, s13, $0xb8;
	[tilespmem:$0x6480] =	vst v63  }
0x8a: {  	_ = 	snop  }
0x8b: {  	[tilespmem:s19], [sflag:$0x1] =	stream.indirect.gather [hbm4b:s4+s13], $0x80, s18, s13, $0xb8;
	[tilespmem:$0x6480] =	vst v63  }
0x8c: {  	_ = 	snop  }
0x8d: {  	[tilespmem:s2], [sflag:$0x2] =	stream.linear.gather [hbm4b:s7+s2], $0x80, $0x38;
	[tilespmem:$0x6480] =	vst v63  }
0x8e: {  	_ =	swait.ge [sflag:s12], $0x80  }
0x8f: {  	[sflag:s12] =	ssyncset.done $0x0  }
0x90: {  	[sflag:s12] =	ssyncadd.s32 $0xFFFFFF80  }
0x91: {  	v15 =	vld [tilespmem:$0x0]  }
0x92: {  	v16 =	vld [tilespmem:$0x10];
	_ =	sdelay $0x4  }
0x93: {  	v17 =	vadd.f32 v16, v15;
	_ =	sdelay $0x1  }
0x94: {  	v18 =	vperm.xlane v17, v4;
	_ =	sdelay $0x1  }
0x95: {  	v17 =	vadd.f32 v18, v17;
	_ =	sdelay $0x1  }
0x96: {  	v18 =	vperm.xlane v17, v6;
	_ =	sdelay $0x1  }
0x97: {  	v17 =	vadd.f32 v18, v17;
	_ =	sdelay $0x1  }
0x98: {  	v18 =	vperm.xlane v17, v10;
	_ =	sdelay $0x1  }
0x99: {  	v17 =	vadd.f32 v18, v17;
	_ =	sdelay $0x1  }
0x9a: {  	v18 =	vperm.xlane v17, v8;
	_ =	sdelay $0x1  }
0x9b: {  	v17 =	vadd.f32 v18, v17;
	_ =	sdelay $0x1  }
0x9c: {  	(erf) = vrcp.f32 v17;
	_ =	sdelay $0x8  }
0x9d: {  	v17 =	vpop (erf)  }
0x9e: {  	v17 =	vmul.f32 $5.017600000e+04, v17;
	_ =	sdelay $0x1  }
0x9f: {  	v16 =	vmul.f32 v17, v16  }
0xa0: {  	v15 =	vmul.f32 v17, v15  }
0xa1: {  	v17 =	vperm.xlane v16, v9  }
0xa2: {  	v18 =	vperm.xlane v15, v9  }
0xa3: {  	v17 =	vsel vm3, $0x0, v17  }
0xa4: {  	v18 =	vsel vm3, $0x0, v18;
	v16 =	vadd.f32 v17, v16  }
0xa5: {  	v17 =	vadd.f32 v15, v18  }
0xa6: {  	v18 =	vperm.xlane v15, v4;
	v19 =	vperm.xlane v16, v11  }
0xa7: {  	v62 =	vperm.xlane v17, v11  }
0xa8: {  	v15 =	vadd.f32 v18, v15;
	v18 =	vsel vm0, $0x0, v19  }
0xa9: {  	v19 =	vsel vm0, $0x0, v62;
	v16 =	vadd.f32 v18, v16  }
0xaa: {  	v18 =	vperm.xlane v15, v6;
	v17 =	vadd.f32 v17, v19  }
0xab: {  	v19 =	vperm.xlane v16, v12  }
0xac: {  	v15 =	vadd.f32 v18, v15;
	v18 =	vperm.xlane v17, v12  }
0xad: {  	v19 =	vsel vm1, $0x0, v19  }
0xae: {  	v63 =	vperm.xlane v15, v10;
	v18 =	vsel vm1, $0x0, v18;
	v16 =	vadd.f32 v19, v16  }
0xaf: {  	v17 =	vadd.f32 v17, v18  }
0xb0: {  	v15 =	vadd.f32 v63, v15;
	v18 =	vperm.xlane v16, v14  }
0xb1: {  	v19 =	vperm.xlane v17, v14  }
0xb2: {  	v20 =	vperm.xlane v15, v8;
	v18 =	vsel vm2, $0x0, v18  }
0xb3: {  	v16 =	vadd.f32 v18, v16;
	v18 =	vsel vm2, $0x0, v19  }
0xb4: {  	v15 =	vadd.f32 v20, v15;
	v17 =	vadd.f32 v17, v18;
	_ =	sdelay $0x1  }
0xb5: {  	v15 =	vadd.f32 v15, v16;
	v16 =	vtrunc.f32 v17  }
0xb6: {  	v16 =	vcvt.f32.s32 v16  }
0xb7: {  	v15 =	vtrunc.f32 v15  }
0xb8: {  	v15 =	vcvt.f32.s32 v15;
	vm3 =	vgt.s32 v16, $0x0  }
0xb9: {  	v16 =	vnsel vm3, $0x0, v16  }
0xba: {  	vm3 =	vgt.s32 v15, $0x0;
	v16 =	vmin.u32 v16, $0xC400  }
0xbb: {  	v15 =	vnsel vm3, $0x0, v15;
	v17 =	vshrl.u32 v16, $0x7  }
0xbc: {  	v15 =	vmin.u32 v15, $0xC400;
	v17 =	vmin.u32 v17, $0x187  }
0xbd: {  	v18 =	vshrl.u32 v15, $0x7;
	v19 =	vadd.s32 v2, v17;
	[tilespmem:$0x300] =	vst v17  }
0xbe: {  	v18 =	vmin.u32 v18, $0x187;
	[tilespmem:$0x180] =	vst v19  }
0xbf: {  	v17 =	vshll.u32 v17, $0x7;
	v19 =	vadd.s32 v2, v18;
	[tilespmem:$0x310] =	vst v18  }
0xc0: {  	v16 =	vsub.s32 v16, v17;
	v17 =	vshll.u32 v18, $0x7;
	[tilespmem:$0x190] =	vst v19  }
0xc1: {  	[tilespmem:$0x3C0] =	vst v16;
	v15 =	vsub.s32 v15, v17  }
0xc2: {  	[tilespmem:$0x3D0] =	vst v15  }
0xc3: {  	[tilespmem:s21], [sflag:$0x1] =	stream.indirect.gather [hbm4b:s3+s13], $0x80, s20, s13, $0xb8;
	[tilespmem:$0x6480] =	vst v63  }
0xc4: {  	_ = 	snop  }
0xc5: {  	[tilespmem:s23], [sflag:$0x1] =	stream.indirect.gather [hbm4b:s4+s13], $0x80, s22, s13, $0xb8;
	[tilespmem:$0x6480] =	vst v63  }
0xc6: {  	_ =	swait.ge [sflag:s24], $0x1000  }
0xc7: {  	[sflag:s24] =	ssyncset.done $0x0  }
0xc8: {  	[sflag:s24] =	ssyncadd.s32 $0xFFFFF000  }
0xc9: {  	_ =	swait.ge [sflag:s24], $0x1000  }
0xca: {  	[sflag:s24] =	ssyncset.done $0x0  }
0xcb: {  	[sflag:s24] =	ssyncadd.s32 $0xFFFFF000  }
0xcc: {  	_ =	swait.ge [sflag:s24], $0x1000  }
0xcd: {  	[sflag:s24] =	ssyncset.done $0x0  }
0xce: {  	[sflag:s24] =	ssyncadd.s32 $0xFFFFF000  }
0xcf: {  	_ =	swait.ge [sflag:s24], $0x1000  }
0xd0: {  	[sflag:s24] =	ssyncset.done $0x0  }
0xd1: {  	[sflag:s24] =	ssyncadd.s32 $0xFFFFF000  }
0xd2: {  	_ =	swait.ge [sflag:s24], $0x1000  }
0xd3: {  	[sflag:s24] =	ssyncset.done $0x0  }
0xd4: {  	[sflag:s24] =	ssyncadd.s32 $0xFFFFF000  }
0xd5: {  	_ =	swait.ge [sflag:s24], $0x1000  }
0xd6: {  	[sflag:s24] =	ssyncset.done $0x0  }
0xd7: {  	s30 =	simm.s32 $0x0;
	v16 =	vimm.f32 $0.0e+00;
	v15 =	vimm.f32 $0.0e+00;
	[sflag:s24] =	ssyncadd.s32 $0xFFFFF000  }
.LBB2_2:
0xd8: {  	v17 =	vld.msk [tilespmem:s30+$0x380], $0x1  }
0xd9: {  	v18 =	vld [tilespmem:s28+$0x0]  }
0xda: {  	v20 =	vld [tilespmem:s14+$0x0];
	_ =	sdelay $0x2  }
0xdb: {  	s1 =	simm.s32 $0x0  }
0xdc: {  	s31 =	simm.s32 $0x10;
	s0 =	sadd.s32 $0x10, s28;
	s29 =	smov.u32 s14;
	v19 =	vimm.f32 $0.0e+00;
	v17 =	vbroadcast v17, $0x0  }
.LBB2_3:
0xdd: {  	v21 =	vor.u32 s1, v13;
	v22 =	vmul.f32 v20, v18;
	v18 =	vld [tilespmem:s0+$0x0];
	s29 =	sadd.s32 $0x10, s29;
	s1 =	smov.u32 s31;
	p0 =	sne.s32 s31, $0x70  }
.Ltmp0:
0xde: {  	s31 =	sadd.s32 $0x10, s31;
	v20 =	vld [tilespmem:s29+$0x0];
	vm3 =	vlt.s32 v21, v17;
	(pc) =	sbr.rel @p0 .LBB2_3-.Ltmp0, $3  }
0xdf: {  	v21 =	vsel vm3, $0x0, v22  }
0xe0: {  	v19 =	vadd.f32 v21, v19;
	_ =	sdelay $0x1  }
0xe1: {  	s0 =	sadd.s32 $0x10, s0  }
0xe2: {  	v21 =	vor.u32 s1, v13;
	v18 =	vmul.f32 v20, v18  }
0xe3: {  	vm3 =	vlt.s32 v21, v17  }
0xe4: {  	v17 =	vsel vm3, $0x0, v18  }
0xe5: {  	v17 =	vadd.f32 v17, v19;
	_ =	sdelay $0x1  }
0xe6: {  	v18 =	vperm.xlane v17, v3;
	_ =	sdelay $0x1  }
0xe7: {  	v17 =	vadd.f32 v18, v17;
	_ =	sdelay $0x1  }
0xe8: {  	v18 =	vperm.xlane v17, v5;
	_ =	sdelay $0x1  }
0xe9: {  	v17 =	vadd.f32 v18, v17;
	_ =	sdelay $0x1  }
0xea: {  	v18 =	vperm.xlane v17, v7;
	_ =	sdelay $0x1  }
0xeb: {  	s0 =	sadd.s32 $0xFFFFFFF0, s30;
	v19 =	vmov s30;
	s30 =	sadd.s32 $0x1, s30;
	v17 =	vadd.f32 v18, v17  }
0xec: {  	p0 =	sne.s32 s30, $0x20  }
.Ltmp1:
0xed: {  	v18 =	vperm.xlane v17, v8;
	(pc) =	sbr.rel @p0 .LBB2_2-.Ltmp1, $4  }
0xee: {  	_ = 	snop  }
0xef: {  	v17 =	vadd.f32 v18, v17;
	v18 =	vmov s0  }
0xf0: {  	vm3 =	veq.s32 v19, v13;
	vm4 =	veq.s32 v18, v13  }
0xf1: {  	s14 =	sadd.s32 $0x80, s14;
	s28 =	sadd.s32 $0x80, s28;
	v16 =	vsel vm3, v17, v16;
	v15 =	vsel vm4, v17, v15  }
0xf2: {  	[tilespmem:$0x6400] =	vst v16  }
0xf3: {  	[tilespmem:$0x6410] =	vst v15;
	s28 =	simm.s32 $0x0  }
0xf4: {  	[hbm4b:s8+s28] =	stream.linear.scatter [tilespmem:s25], [sflag:$0x2], $0x80, $0x38;
	[tilespmem:$0x6480] =	vst v63  }
0xf5: {  	_ =	swait.ge [sflag:s12], $0x80  }
0xf6: {  	[sflag:s12] =	ssyncset.done $0x0  }
0xf7: {  	v15 =	vimm.f32 $0.0e+00;
	s29 =	simm.s32 $0x4400;
	s30 =	simm.s32 $0x1400;
	v16 =	vimm.f32 $0.0e+00;
	[sflag:s12] =	ssyncadd.s32 $0xFFFFFF80  }
.LBB2_6:
0xf8: {  	v17 =	vld.msk [tilespmem:s28+$0x3A0], $0x1  }
0xf9: {  	v18 =	vld [tilespmem:s30+$0x0]  }
0xfa: {  	v20 =	vld [tilespmem:s29+$0x0];
	_ =	sdelay $0x2  }
0xfb: {  	s31 =	simm.s32 $0x10  }
0xfc: {  	s1 =	sadd.s32 $0x10, s30;
	s14 =	simm.s32 $0x0;
	s0 =	smov.u32 s29;
	v19 =	vimm.f32 $0.0e+00;
	v17 =	vbroadcast v17, $0x0  }
.LBB2_7:
0xfd: {  	v21 =	vor.u32 s14, v13;
	v22 =	vmul.f32 v20, v18;
	v18 =	vld [tilespmem:s1+$0x0];
	s0 =	sadd.s32 $0x10, s0;
	s14 =	smov.u32 s31;
	p0 =	sne.s32 s31, $0x70  }
.Ltmp2:
0xfe: {  	s31 =	sadd.s32 $0x10, s31;
	v20 =	vld [tilespmem:s0+$0x0];
	vm3 =	vlt.s32 v21, v17;
	(pc) =	sbr.rel @p0 .LBB2_7-.Ltmp2, $3  }
0xff: {  	v21 =	vsel vm3, $0x0, v22  }
0x100: {  	v19 =	vadd.f32 v21, v19;
	_ =	sdelay $0x1  }
0x101: {  	s1 =	sadd.s32 $0x10, s1  }
0x102: {  	v21 =	vor.u32 s14, v13;
	v18 =	vmul.f32 v20, v18  }
0x103: {  	vm3 =	vlt.s32 v21, v17  }
0x104: {  	v17 =	vsel vm3, $0x0, v18  }
0x105: {  	v17 =	vadd.f32 v17, v19;
	_ =	sdelay $0x1  }
0x106: {  	v18 =	vperm.xlane v17, v3;
	_ =	sdelay $0x1  }
0x107: {  	v17 =	vadd.f32 v18, v17;
	_ =	sdelay $0x1  }
0x108: {  	v18 =	vperm.xlane v17, v5;
	_ =	sdelay $0x1  }
0x109: {  	v17 =	vadd.f32 v18, v17;
	_ =	sdelay $0x1  }
0x10a: {  	v18 =	vperm.xlane v17, v7;
	_ =	sdelay $0x1  }
0x10b: {  	s0 =	sadd.s32 $0xFFFFFFF0, s28;
	v19 =	vmov s28;
	s28 =	sadd.s32 $0x1, s28;
	v17 =	vadd.f32 v18, v17  }
0x10c: {  	p0 =	sne.s32 s28, $0x20  }
.Ltmp3:
0x10d: {  	v18 =	vperm.xlane v17, v8;
	(pc) =	sbr.rel @p0 .LBB2_6-.Ltmp3, $4  }
0x10e: {  	_ = 	snop  }
0x10f: {  	v17 =	vadd.f32 v18, v17;
	v18 =	vmov s0  }
0x110: {  	vm3 =	veq.s32 v19, v13;
	vm4 =	veq.s32 v18, v13  }
0x111: {  	s29 =	sadd.s32 $0x80, s29;
	s30 =	sadd.s32 $0x80, s30;
	v16 =	vsel vm3, v17, v16;
	v15 =	vsel vm4, v17, v15  }
0x112: {  	[tilespmem:$0x6400] =	vst v16  }
0x113: {  	[tilespmem:$0x6410] =	vst v15;
	s28 =	simm.s32 $0x0  }
0x114: {  	[hbm4b:s9+s28] =	stream.linear.scatter [tilespmem:s25], [sflag:$0x2], $0x80, $0x38;
	[tilespmem:$0x6480] =	vst v63  }
0x115: {  	_ =	swait.ge [sflag:s12], $0x80  }
0x116: {  	[sflag:s12] =	ssyncset.done $0x0  }
0x117: {  	v15 =	vimm.f32 $0.0e+00;
	s29 =	simm.s32 $0x5400;
	s30 =	simm.s32 $0x2400;
	v16 =	vimm.f32 $0.0e+00;
	[sflag:s12] =	ssyncadd.s32 $0xFFFFFF80  }
.LBB2_10:
0x118: {  	v17 =	vld.msk [tilespmem:s28+$0x3C0], $0x1  }
0x119: {  	v18 =	vld [tilespmem:s30+$0x0]  }
0x11a: {  	v20 =	vld [tilespmem:s29+$0x0];
	_ =	sdelay $0x2  }
0x11b: {  	s31 =	simm.s32 $0x10  }
0x11c: {  	s1 =	sadd.s32 $0x10, s30;
	s14 =	simm.s32 $0x0;
	s0 =	smov.u32 s29;
	v19 =	vimm.f32 $0.0e+00;
	v17 =	vbroadcast v17, $0x0  }
.LBB2_11:
0x11d: {  	v21 =	vor.u32 s14, v13;
	v22 =	vmul.f32 v20, v18;
	v18 =	vld [tilespmem:s1+$0x0];
	s0 =	sadd.s32 $0x10, s0;
	s14 =	smov.u32 s31;
	p0 =	sne.s32 s31, $0x70  }
.Ltmp4:
0x11e: {  	s31 =	sadd.s32 $0x10, s31;
	v20 =	vld [tilespmem:s0+$0x0];
	vm3 =	vlt.s32 v21, v17;
	(pc) =	sbr.rel @p0 .LBB2_11-.Ltmp4, $3  }
0x11f: {  	v21 =	vsel vm3, $0x0, v22  }
0x120: {  	v19 =	vadd.f32 v21, v19;
	_ =	sdelay $0x1  }
0x121: {  	s1 =	sadd.s32 $0x10, s1  }
0x122: {  	v21 =	vor.u32 s14, v13;
	v18 =	vmul.f32 v20, v18  }
0x123: {  	vm3 =	vlt.s32 v21, v17  }
0x124: {  	v17 =	vsel vm3, $0x0, v18  }
0x125: {  	v17 =	vadd.f32 v17, v19;
	_ =	sdelay $0x1  }
0x126: {  	v18 =	vperm.xlane v17, v3;
	_ =	sdelay $0x1  }
0x127: {  	v17 =	vadd.f32 v18, v17;
	_ =	sdelay $0x1  }
0x128: {  	v18 =	vperm.xlane v17, v5;
	_ =	sdelay $0x1  }
0x129: {  	v17 =	vadd.f32 v18, v17;
	_ =	sdelay $0x1  }
0x12a: {  	v18 =	vperm.xlane v17, v7;
	_ =	sdelay $0x1  }
0x12b: {  	s0 =	sadd.s32 $0xFFFFFFF0, s28;
	v19 =	vmov s28;
	s28 =	sadd.s32 $0x1, s28;
	v17 =	vadd.f32 v18, v17  }
0x12c: {  	p0 =	sne.s32 s28, $0x20  }
.Ltmp5:
0x12d: {  	v18 =	vperm.xlane v17, v8;
	(pc) =	sbr.rel @p0 .LBB2_10-.Ltmp5, $4  }
0x12e: {  	_ = 	snop  }
0x12f: {  	v17 =	vadd.f32 v18, v17;
	v18 =	vmov s0  }
0x130: {  	vm3 =	veq.s32 v19, v13;
	vm4 =	veq.s32 v18, v13  }
0x131: {  	s29 =	sadd.s32 $0x80, s29;
	s30 =	sadd.s32 $0x80, s30;
	v16 =	vsel vm3, v17, v16;
	v15 =	vsel vm4, v17, v15  }
0x132: {  	s26 =	sadd.s32 $0x1, s26  }
0x133: {  	[tilespmem:$0x6400] =	vst v16;
	p0 =	sne.s32 s26, s11  }
.Ltmp6:
0x134: {  	[tilespmem:$0x6410] =	vst v15;
	(pc) =	sbr.rel @p0 .LBB2_1-.Ltmp6, $4  }
0x135: {  	[hbm4b:s10+s2] =	stream.linear.scatter [tilespmem:s25], [sflag:$0x2], $0x80, $0x38;
	[tilespmem:$0x6480] =	vst v63  }
0x136: {  	_ =	swait.ge [sflag:s12], $0x80  }
0x137: {  	[sflag:s12] =	ssyncset.done $0x0  }
0x138: {  	[sflag:s12] =	ssyncadd.s32 $0xFFFFFF80  }
0x139: {  	_ =	sfence.sel $0x180000  }
0x13a: {  	[bflag:$0x0] =	sbarrier.arrive $0xFFFF  }
0x13b: {  	_ =	strace $0x90000047  }
0x13c: {  	s0 =	stileid.u32;
	[bflag:$0x2] =	sbarrier.arrive $0xFFFF  }
0x13d: {  	p0 =	sne.s32 s0, $0x0;
	s0 =	rddreg [dreg:$0x1]  }
0x13e: {  	s0 =	sadd.s32 @!p0 $0x100000, s0  }
0x13f: {  	[sflag:s0] =	ssyncadd.tile.s32 @!p0 $0x1;
	_ =	shalt  }
.Lfunc_end2:
_tile_overlayer_lowered:
.L_overlay_start_2:
0x140: {  	(tag) =	ssettag $0x2  }
0x141: {  	s0 =	rddreg [dreg:$0x0];
	s2 =	stileid.u32  }
0x142: {  	s1 =	rddreg [dreg:$0x1];
	p0 =	sne.s32 s2, $0x0  }
0x143: {  	s3 =	rddreg [dreg:$0x2];
	[bflag:$0x3] =	sbarrier.arrive $0xFFFF;
	s2 =	simm.s32 @!p0 $0x1C02  }
0x144: {  	[timem:s3], [sflag:s2] =	dma.local @!p0 [hbm:s0], s1  }
0x145: {  	s0 =	simm.s32 @!p0 $0x2  }
0x146: {  	_ =	swait.ge @!p0 [sflag:s0], s1  }
0x147: {  	s1 =	ssub.s32 @!p0 $0x0, s1;
	[sflag:s0] =	ssyncset.done @!p0 $0x0  }
0x148: {  	[sflag:s0] =	ssyncadd.s32 @!p0 s1  }
0x149: {  	[bflag:$0x3] =	sbarrier.arrive $0xFFFF  }
0x14a: {  	_ =	shalt  }

</sc_bundles>
